<compile_context>
chip_gen: v7x
topology: tpu7x:2x2x1
jax: 0.10.2.dev20260603
libtpu: 0.0.44.dev20260713+nightly
codegen_flags: <defaults>
</compile_context>

<pallas_src>
import functools

import jax
import jax.numpy as jnp
from jax import lax
from jax.experimental import pallas as pl
from jax.experimental.pallas import tpu as pltpu
from jax.experimental.pallas import tpu_sc as plsc

N = 4096
NC = 2
NS = 16
NW = NC * NS
L = 16
NCHUNK = N // L
RB = 8
NT = 3072
SROWS = (N - NT) // NW
BT = 512


def _prologue_body(sim_ref, p_ref, hp_ref, iou_ref, big_ref, qn_ref,
                   prm_ref):
    p = p_ref[...]
    hp = hp_ref[...]
    iou = iou_ref[...]
    sim = sim_ref[...]
    hn = p + hp - 2.0 * p * hp
    S = 1.0 + jnp.sum(hn * iou)
    logS = jnp.log(S)
    w = jnp.where(hn > 0.0, jnp.log(iou) - logS, 0.0)
    qn = jnp.exp(sim) * hp
    T = jnp.sum(qn)
    cnt = jnp.sum(hp)
    big_ref[0:32, :] = hn
    big_ref[32:64, :] = w
    big_ref[64:65, :] = jnp.full((1, 128), -logS)
    big_ref[65:66, :] = jnp.full((1, 128), T)
    qn_ref[...] = qn
    z = jnp.float32(0.0)
    vals = jnp.stack([-logS, T, cnt, z, z, z, z, z])
    prm_ref[...] = jnp.broadcast_to(vals[:, None], (8, 128))


_prologue = pl.pallas_call(
    _prologue_body,
    out_shape=(
        jax.ShapeDtypeStruct((66, 128), jnp.float32),
        jax.ShapeDtypeStruct((32, 128), jnp.float32),
        jax.ShapeDtypeStruct((8, 128), jnp.float32),
    ),
)


WOFF = N
POFF = 2 * N


def _sc_body(d_hbm, big_hbm, qn_hbm, hp_hbm, out_hbm,
             big_v, qnloc_v, hploc_v, cidx_v, wc_v, ridx_v, rows_v,
             tot_v, sem0, sem1):
    c = lax.axis_index("c")
    s = lax.axis_index("s")
    wid = s * NC + c
    row0 = NT + wid * SROWS

    pltpu.sync_copy(big_hbm, big_v)
    pltpu.sync_copy(qn_hbm.at[pl.ds(row0, SROWS)], qnloc_v.at[pl.ds(0, SROWS)])
    pltpu.sync_copy(hp_hbm.at[pl.ds(row0, SROWS)], hploc_v.at[pl.ds(0, SROWS)])
    mlogs = big_v[pl.ds(POFF, L)]
    t16 = big_v[pl.ds(POFF + 128, L)]

    iota = lax.iota(jnp.int32, L)
    izero = jnp.zeros((L,), jnp.int32)
    fzero = jnp.zeros((L,), jnp.float32)

    scope_cmp = jax.named_scope("sc_compact")
    scope_cmp.__enter__()

    def col_cmp(j, cnt):
        base = j * L
        hn16 = big_v[pl.ds(base, L)]
        m = hn16 > 0.0
        mi = m.astype(jnp.int32)
        offs = jnp.full((L,), cnt, jnp.int32) + plsc.cumsum(mi) - mi
        plsc.store_scatter(cidx_v, [offs], base + iota, mask=m)
        plsc.store_scatter(wc_v, [offs], big_v[pl.ds(WOFF + base, L)], mask=m)
        return cnt + jnp.sum(mi)

    cnt_hn = lax.fori_loop(0, NCHUNK, col_cmp, jnp.int32(0))
    plsc.store_scatter(cidx_v, [cnt_hn + iota], izero, mask=None)
    plsc.store_scatter(wc_v, [cnt_hn + iota], fzero, mask=None)
    nchunk_c = (cnt_hn + L - 1) // L
    npad = nchunk_c * L - cnt_hn
    npad_f = jnp.full((L,), npad, jnp.int32).astype(jnp.float32)

    def row_cmp(j, cnt):
        base = j * L
        hp16 = hploc_v[pl.ds(base, L)]
        m = hp16 > 0.0
        mi = m.astype(jnp.int32)
        offs = jnp.full((L,), cnt, jnp.int32) + plsc.cumsum(mi) - mi
        plsc.store_scatter(ridx_v, [offs], row0 + base + iota, mask=m)
        return cnt + jnp.sum(mi)

    my_cnt = lax.fori_loop(0, SROWS // L, row_cmp, jnp.int32(0))
    plsc.store_scatter(ridx_v, [my_cnt + iota],
                       jnp.full((L,), row0, jnp.int32), mask=None)
    nblk = (my_cnt + RB - 1) // RB
    scope_cmp.__exit__(None, None, None)
    scope_main = jax.named_scope("sc_mainloop")
    scope_main.__enter__()

    def issue(g):
        idxs = ridx_v.at[pl.ds(g * RB, RB)]

        @pl.when(lax.rem(g, 2) == 0)
        def _():
            pltpu.async_copy(d_hbm.at[idxs], rows_v.at[pl.ds(0, RB)], sem0)

        @pl.when(lax.rem(g, 2) == 1)
        def _():
            pltpu.async_copy(d_hbm.at[idxs], rows_v.at[pl.ds(RB, RB)], sem1)

    @pl.when(nblk > 0)
    def _():
        issue(0)

    def blk(g, total):
        par = lax.rem(g, 2)

        @pl.when(g + 1 < nblk)
        def _():
            issue(g + 1)

        @pl.when(par == 0)
        def _():
            pltpu.make_async_copy(
                d_hbm.at[ridx_v.at[pl.ds(0, RB)]],
                rows_v.at[pl.ds(0, RB)], sem0).wait()

        @pl.when(par == 1)
        def _():
            pltpu.make_async_copy(
                d_hbm.at[ridx_v.at[pl.ds(0, RB)]],
                rows_v.at[pl.ds(RB, RB)], sem1).wait()

        rbase = par * RB

        @plsc.parallel_loop(0, nchunk_c * L, step=L, unroll=2,
                            carry=(fzero,) * (2 * RB))
        def accs(base, carry):
            idx16 = cidx_v[pl.ds(base, L)]
            w16 = wc_v[pl.ds(base, L)]
            outs = []
            for r in range(RB):
                e = jnp.exp(
                    plsc.load_gather(
                        rows_v,
                        [jnp.full((L,), rbase + r, jnp.int32), idx16]))
                outs.append(carry[2 * r] + e)
                outs.append(carry[2 * r + 1] + e * w16)
            return tuple(outs)

        e0 = jnp.exp(plsc.load_gather(
            rows_v, [jnp.minimum(iota, RB - 1) + rbase, izero]))
        ra = fzero
        rb = fzero
        for r in range(RB):
            sel = iota == r
            ra = jnp.where(sel, jnp.full((L,), jnp.sum(accs[2 * r])), ra)
            rb = jnp.where(sel, jnp.full((L,), jnp.sum(accs[2 * r + 1])), rb)
        ra = ra - npad_f * e0

        ridx16 = ridx_v[pl.ds(g * RB, L)]
        qn16 = plsc.load_gather(qnloc_v, [ridx16 - row0])
        valid = ((g * RB + iota) < my_cnt) & (iota < RB)
        contrib = (qn16 * mlogs + rb) / (ra + t16)
        return total + jnp.where(valid, contrib, fzero)

    total = lax.fori_loop(0, nblk, blk, fzero)
    scope_main.__exit__(None, None, None)

    tot_v[...] = total
    pltpu.sync_copy(tot_v, out_hbm.at[pl.ds(wid * L, L)])


_sc_main = functools.partial(
    pl.kernel,
    out_type=jax.ShapeDtypeStruct((NW * L,), jnp.float32),
    mesh=plsc.VectorSubcoreMesh(core_axis_name="c", subcore_axis_name="s"),
    compiler_params=pltpu.CompilerParams(needs_layout_passes=False),
    scratch_types=[
        pltpu.VMEM((66 * 128,), jnp.float32),
        pltpu.VMEM((SROWS + L,), jnp.float32),
        pltpu.VMEM((SROWS + L,), jnp.float32),
        pltpu.VMEM((N + L,), jnp.int32),
        pltpu.VMEM((N + L,), jnp.float32),
        pltpu.VMEM((SROWS + L,), jnp.int32),
        pltpu.VMEM((2 * RB, N), jnp.float32),
        pltpu.VMEM((L,), jnp.float32),
        pltpu.SemaphoreType.DMA,
        pltpu.SemaphoreType.DMA,
    ],
)(_sc_body)


def _tc_rows_body(d_ref, w2_ref, qn_ref, hp_ref, prm_ref, out_ref):
    e = jnp.exp(d_ref[...])
    p = jnp.dot(e, w2_ref[...], preferred_element_type=jnp.float32)
    prm = prm_ref[...]
    mlogs = prm[0, 0]
    t = prm[1, 0]
    qn = qn_ref[...]
    hp = hp_ref[...]
    out_ref[...] = hp * (qn * mlogs + p[:, 0]) / (p[:, 1] + t)


_tc_rows = pl.pallas_call(
    _tc_rows_body,
    grid=(NT // BT,),
    in_specs=[
        pl.BlockSpec((BT, N), lambda i: (i, 0)),
        pl.BlockSpec((N, 2), lambda i: (0, 0)),
        pl.BlockSpec((BT,), lambda i: (i,)),
        pl.BlockSpec((BT,), lambda i: (i,)),
        pl.BlockSpec((8, 128), lambda i: (0, 0)),
    ],
    out_specs=pl.BlockSpec((BT,), lambda i: (i,)),
    out_shape=jax.ShapeDtypeStruct((NT,), jnp.float32),
)


def _epilogue_body(psc_ref, ptc_ref, prm_ref, out_ref):
    loss = -(jnp.sum(psc_ref[...]) + jnp.sum(ptc_ref[...]))
    cnt = prm_ref[...][2, 0]
    out_ref[...] = jnp.where(cnt == 0.0, 0.0, loss)[None, None]


_epilogue = pl.pallas_call(
    _epilogue_body,
    out_shape=jax.ShapeDtypeStruct((1, 1), jnp.float32),
)


def kernel(sim_mat, database_sim_mat, pos_mask, hard_pos_mask, neg_mask, iou):
    del neg_mask
    p_f = pos_mask[:, 1].astype(jnp.float32)
    hp_f = hard_pos_mask[:, 1].astype(jnp.float32)
    iou_ = iou[:, 0]

    big, qn, prm = _prologue(
        sim_mat.reshape(32, 128), p_f.reshape(32, 128),
        hp_f.reshape(32, 128), iou_.reshape(32, 128))

    qn1 = qn.reshape(N)

    partials_sc = _sc_main(
        database_sim_mat, big.reshape(66 * 128), qn1, hp_f)

    w2 = jnp.stack([big[32:64].reshape(N), big[0:32].reshape(N)], axis=1)
    partials_tc = _tc_rows(database_sim_mat, w2, qn1[:NT], hp_f[:NT], prm)

    out = _epilogue(partials_sc.reshape(4, 128),
                    partials_tc.reshape(NT // 128, 128), prm)
    return out.reshape(())

# --- scband reference (transcript-rebuilt; emitter-appended) ---
"""Pipeline reference for scband-c2-f-35485019799838 (READ-ONLY COPY).

The authoritative reference and input builder live on the scoring server;
editing this copy changes nothing except your own understanding.
"""

import jax, jax.numpy as jnp
import numpy as np


def setup_inputs(seed: int = 0) -> dict:
    key = jax.random.key(seed)
    k1, k2, k3, k4, k5, k6 = jax.random.split(key, 6)
    N = 4096
    sim_mat = jax.random.normal(k1, (N,), dtype=jnp.float32)
    database_sim_mat = jax.random.normal(k2, (N, N), dtype=jnp.float32)
    pos_mask = jax.random.randint(k3, (N, 2), 0, 2).astype(bool)
    hard_pos_mask = jax.random.randint(k4, (N, 2), 0, 2).astype(bool)
    neg_mask = jax.random.randint(k5, (N, 2), 0, 2).astype(bool)
    iou = jax.random.uniform(k6, (N, 1), dtype=jnp.float32)
    return {"sim_mat": sim_mat, "database_sim_mat": database_sim_mat,
            "pos_mask": pos_mask, "hard_pos_mask": hard_pos_mask,
            "neg_mask": neg_mask, "iou": iou}


def reference(sim_mat, database_sim_mat, pos_mask, hard_pos_mask, neg_mask, iou):
    # fine(sim_mat, database_sim_mat, pos_mask, hard_pos_mask, iou)
    iou_ = iou[:, 0]                       # iou.squeeze(1)
    p_mask = pos_mask[:, 1]                # pos_mask[:, 1:].squeeze()
    hp_mask = hard_pos_mask[:, 1]
    hard_neg_mask = jnp.logical_xor(p_mask, hp_mask)
    hp_f = hp_mask.astype(sim_mat.dtype)
    hn_f = hard_neg_mask.astype(sim_mat.dtype)
    hp_sim_exp = jnp.exp(sim_mat) * hp_f
    hp_sim_exp_sum = jnp.sum(hp_sim_exp)
    smk_exp = jnp.exp(database_sim_mat) * hn_f[None, :] * hp_f[:, None]
    smk_exp_sum = jnp.sum(smk_exp, axis=1)
    exp_sum = smk_exp_sum + hp_sim_exp_sum
    query_Sn = hp_sim_exp / exp_sum
    hn_Sn = smk_exp / exp_sum[:, None]
    Sn = jnp.concatenate((query_Sn[:, None], hn_Sn), axis=1)
    hn_iou = jnp.concatenate((jnp.array([1.0], dtype=iou_.dtype), iou_))
    col_mask = jnp.concatenate((jnp.array([1.0], dtype=iou_.dtype), hn_f))
    hn_iou_sum = jnp.sum(hn_iou * col_mask)
    safe_iou = jnp.where(col_mask > 0, hn_iou, jnp.ones_like(hn_iou))
    loss = -jnp.sum(Sn * jnp.log(safe_iou / hn_iou_sum))
    return jnp.where(jnp.sum(hp_f) == 0, jnp.zeros((), dtype=loss.dtype), loss)

if __name__ == "__main__":
    import jax
    _d = setup_inputs()
    print(jax.jit(kernel)(*tuple(_d.values())))

</pallas_src>

<mosaic_0001>
#map = affine_map<(d0, d1) -> (0, 0)>
#map1 = affine_map<(d0, d1) -> (0)>
module attributes {stable_mosaic.version = 14 : i64} {
  func.func @_sc_body(%arg0: i32, %arg1: i32, %arg2: memref<4096x4096xf32, #tpu.memory_space<hbm>>, %arg3: memref<8448xf32, #tpu.memory_space<hbm>>, %arg4: memref<4096xf32, #tpu.memory_space<hbm>>, %arg5: memref<4096xf32, #tpu.memory_space<hbm>>, %arg6: memref<512xf32, #tpu.memory_space<hbm>>, %arg7: memref<8448xf32, #tpu.memory_space<vmem>>, %arg8: memref<48xf32, #tpu.memory_space<vmem>>, %arg9: memref<48xf32, #tpu.memory_space<vmem>>, %arg10: memref<4112xi32, #tpu.memory_space<vmem>>, %arg11: memref<4112xf32, #tpu.memory_space<vmem>>, %arg12: memref<48xi32, #tpu.memory_space<vmem>>, %arg13: memref<16x4096xf32, #tpu.memory_space<vmem>>, %arg14: memref<16xf32, #tpu.memory_space<vmem>>, %arg15: memref<!tpu.dma_semaphore, #tpu.memory_space<semaphore_mem>>, %arg16: memref<!tpu.dma_semaphore, #tpu.memory_space<semaphore_mem>>) attributes {dimension_semantics = [#tpu.dimension_semantics<core_parallel>, #tpu.dimension_semantics<subcore_parallel>], iteration_bounds = array<i64: 2, 16>, scalar_prefetch = 0 : i64, scratch_operands = 10 : i64, tpu.core_type = #tpu.core_type<sc_vector_subcore>, window_params = [{transform_indices = #map}, {transform_indices = #map1}, {transform_indices = #map1}, {transform_indices = #map1}, {transform_indices = #map1}]} {
    %mul3A = arith.constant 2 : i32
    %mul3A_0 = arith.muli %arg1, %mul3A : i32
    %add3A = arith.addi %mul3A_0, %arg0 : i32
    %mul3A_1 = arith.constant 32 : i32
    %mul3A_2 = arith.muli %add3A, %mul3A_1 : i32
    %add3A_3 = arith.constant 3072 : i32
    %add3A_4 = arith.addi %add3A_3, %mul3A_2 : i32
    "tpu.region"() ({
      %run_scoped3A = tpu.sem_alloc : memref<!tpu.dma_semaphore, #tpu.memory_space<semaphore_mem>>
      tpu.enqueue_dma source(%arg3 : memref<8448xf32, #tpu.memory_space<hbm>>) target(%arg7 : memref<8448xf32, #tpu.memory_space<vmem>>) target_semaphore(%run_scoped3A : memref<!tpu.dma_semaphore, #tpu.memory_space<semaphore_mem>>)
      tpu.wait_dma2 semaphore(%run_scoped3A : memref<!tpu.dma_semaphore, #tpu.memory_space<semaphore_mem>>) src(%arg3 : memref<8448xf32, #tpu.memory_space<hbm>>) dst(%arg7 : memref<8448xf32, #tpu.memory_space<vmem>>)
      tpu.yield
    }) : () -> ()
    "tpu.region"() ({
      %run_scoped3A = tpu.sem_alloc : memref<!tpu.dma_semaphore, #tpu.memory_space<semaphore_mem>>
      %dma_start3A = arith.constant 0 : i32
      %dma_start3A_99 = tpu.memref_slice %arg8[%dma_start3A] : memref<48xf32, #tpu.memory_space<vmem>> -> memref<32xf32, #tpu.memory_space<vmem>>
      %dma_start3A_100 = tpu.memref_slice %arg4[%add3A_4] : memref<4096xf32, #tpu.memory_space<hbm>> -> memref<32xf32, #tpu.memory_space<hbm>>
      %dma_start3A_101 = arith.constant 0 : i32
      %dma_start3A_102 = tpu.memref_slice %arg8[%dma_start3A_101] : memref<48xf32, #tpu.memory_space<vmem>> -> memref<32xf32, #tpu.memory_space<vmem>>
      %dma_start3A_103 = tpu.memref_slice %arg4[%add3A_4] : memref<4096xf32, #tpu.memory_space<hbm>> -> memref<32xf32, #tpu.memory_space<hbm>>
      tpu.enqueue_dma source(%dma_start3A_103 : memref<32xf32, #tpu.memory_space<hbm>>) target(%dma_start3A_102 : memref<32xf32, #tpu.memory_space<vmem>>) target_semaphore(%run_scoped3A : memref<!tpu.dma_semaphore, #tpu.memory_space<semaphore_mem>>)
      %dma_wait3A = arith.constant 0 : i32
      %dma_wait3A_104 = tpu.memref_slice %arg8[%dma_wait3A] : memref<48xf32, #tpu.memory_space<vmem>> -> memref<32xf32, #tpu.memory_space<vmem>>
      %dma_wait3A_105 = tpu.memref_slice %arg4[%add3A_4] : memref<4096xf32, #tpu.memory_space<hbm>> -> memref<32xf32, #tpu.memory_space<hbm>>
      %dma_wait3A_106 = arith.constant 0 : i32
      %dma_wait3A_107 = tpu.memref_slice %arg8[%dma_wait3A_106] : memref<48xf32, #tpu.memory_space<vmem>> -> memref<32xf32, #tpu.memory_space<vmem>>
      %dma_wait3A_108 = tpu.memref_slice %arg4[%add3A_4] : memref<4096xf32, #tpu.memory_space<hbm>> -> memref<32xf32, #tpu.memory_space<hbm>>
      tpu.wait_dma2 semaphore(%run_scoped3A : memref<!tpu.dma_semaphore, #tpu.memory_space<semaphore_mem>>) src(%dma_wait3A_108 : memref<32xf32, #tpu.memory_space<hbm>>) dst(%dma_wait3A_107 : memref<32xf32, #tpu.memory_space<vmem>>)
      tpu.yield
    }) : () -> ()
    "tpu.region"() ({
      %run_scoped3A = tpu.sem_alloc : memref<!tpu.dma_semaphore, #tpu.memory_space<semaphore_mem>>
      %dma_start3A = arith.constant 0 : i32
      %dma_start3A_99 = tpu.memref_slice %arg9[%dma_start3A] : memref<48xf32, #tpu.memory_space<vmem>> -> memref<32xf32, #tpu.memory_space<vmem>>
      %dma_start3A_100 = tpu.memref_slice %arg5[%add3A_4] : memref<4096xf32, #tpu.memory_space<hbm>> -> memref<32xf32, #tpu.memory_space<hbm>>
      %dma_start3A_101 = arith.constant 0 : i32
      %dma_start3A_102 = tpu.memref_slice %arg9[%dma_start3A_101] : memref<48xf32, #tpu.memory_space<vmem>> -> memref<32xf32, #tpu.memory_space<vmem>>
      %dma_start3A_103 = tpu.memref_slice %arg5[%add3A_4] : memref<4096xf32, #tpu.memory_space<hbm>> -> memref<32xf32, #tpu.memory_space<hbm>>
      tpu.enqueue_dma source(%dma_start3A_103 : memref<32xf32, #tpu.memory_space<hbm>>) target(%dma_start3A_102 : memref<32xf32, #tpu.memory_space<vmem>>) target_semaphore(%run_scoped3A : memref<!tpu.dma_semaphore, #tpu.memory_space<semaphore_mem>>)
      %dma_wait3A = arith.constant 0 : i32
      %dma_wait3A_104 = tpu.memref_slice %arg9[%dma_wait3A] : memref<48xf32, #tpu.memory_space<vmem>> -> memref<32xf32, #tpu.memory_space<vmem>>
      %dma_wait3A_105 = tpu.memref_slice %arg5[%add3A_4] : memref<4096xf32, #tpu.memory_space<hbm>> -> memref<32xf32, #tpu.memory_space<hbm>>
      %dma_wait3A_106 = arith.constant 0 : i32
      %dma_wait3A_107 = tpu.memref_slice %arg9[%dma_wait3A_106] : memref<48xf32, #tpu.memory_space<vmem>> -> memref<32xf32, #tpu.memory_space<vmem>>
      %dma_wait3A_108 = tpu.memref_slice %arg5[%add3A_4] : memref<4096xf32, #tpu.memory_space<hbm>> -> memref<32xf32, #tpu.memory_space<hbm>>
      tpu.wait_dma2 semaphore(%run_scoped3A : memref<!tpu.dma_semaphore, #tpu.memory_space<semaphore_mem>>) src(%dma_wait3A_108 : memref<32xf32, #tpu.memory_space<hbm>>) dst(%dma_wait3A_107 : memref<32xf32, #tpu.memory_space<vmem>>)
      tpu.yield
    }) : () -> ()
    %get3A = arith.constant 8192 : index
    %get3A_5 = tpu.vector_load %arg7[%get3A] {strides = array<i32>} : memref<8448xf32, #tpu.memory_space<vmem>>, vector<16xf32>,
    %get3A_6 = arith.constant 8320 : index
    %get3A_7 = tpu.vector_load %arg7[%get3A_6] {strides = array<i32>} : memref<8448xf32, #tpu.memory_space<vmem>>, vector<16xf32>,
    %iota3A = tpu.iota {dimensions = array<i32: 0>} : vector<16xi32>
    %broadcast_in_dim3A = arith.constant 0 : i32
    %broadcast_in_dim3A_8 = vector.broadcast %broadcast_in_dim3A : i32 to vector<16xi32>
    %broadcast_in_dim3A_9 = arith.constant 0.000000e+00 : f32
    %broadcast_in_dim3A_10 = vector.broadcast %broadcast_in_dim3A_9 : f32 to vector<16xf32>
    "tpu.trace_start"() <{level = 10 : i32, message = "sc_compact"}> : () -> ()
    %scan3A = arith.constant 0 : i32
    %scan3A_11 = arith.constant 0 : i32
    %scan3A_12 = arith.constant 256 : i32
    %scan3A_13 = arith.addi %scan3A_11, %scan3A_12 : i32
    %scan3A_14 = arith.constant 1 : i32
    %scan3A_15 = scf.for %scan3A_99 = %scan3A_11 to %scan3A_13 step %scan3A_14 iter_args(%scan3A_100 = %scan3A) -> (i32)  : i32 {
      %mul3A_101 = arith.constant 16 : i32
      %mul3A_102 = arith.muli %scan3A_99, %mul3A_101 : i32
      %get3A_103 = arith.index_cast %mul3A_102 : i32 to index
      %get3A_104 = tpu.vector_load %arg7[%get3A_103] {strides = array<i32>} : memref<8448xf32, #tpu.memory_space<vmem>>, vector<16xf32>,
      %gt3A_105 = arith.constant 0.000000e+00 : f32
      %gt3A_106 = vector.broadcast %gt3A_105 : f32 to vector<16xf32>
      %gt3A_107 = arith.cmpf ogt, %get3A_104, %gt3A_106 : vector<16xf32>
      %convert_element_type3A_108 = arith.extui %gt3A_107 : vector<16xi1> to vector<16xi32>
      %broadcast_in_dim3A_109 = vector.broadcast %scan3A_100 : i32 to vector<16xi32>
      %broadcast_in_dim3A_110 = arith.constant true
      %broadcast_in_dim3A_111 = vector.broadcast %broadcast_in_dim3A_110 : i1 to vector<16xi1>
      %masked_cumsum3A = tpu.scan <sum>, %convert_element_type3A_108 masked %broadcast_in_dim3A_111 : vector<16xi32>, vector<16xi1> -> vector<16xi32>
      %add3A_112 = arith.addi %broadcast_in_dim3A_109, %masked_cumsum3A : vector<16xi32>
      %sub3A_113 = arith.subi %add3A_112, %convert_element_type3A_108 : vector<16xi32>
      %add3A_114 = vector.broadcast %mul3A_102 : i32 to vector<16xi32>
      %add3A_115 = arith.addi %add3A_114, %iota3A : vector<16xi32>
      tpu.vector_store_idx %arg10[%sub3A_113], %add3A_115 masked %gt3A_107 : memref<4112xi32, #tpu.memory_space<vmem>>[vector<16xi32>], vector<16xi32>, vector<16xi1>
      %add3A_116 = arith.constant 4096 : i32
      %add3A_117 = arith.addi %add3A_116, %mul3A_102 : i32
      %get3A_118 = arith.index_cast %add3A_117 : i32 to index
      %get3A_119 = tpu.vector_load %arg7[%get3A_118] {strides = array<i32>} : memref<8448xf32, #tpu.memory_space<vmem>>, vector<16xf32>,
      tpu.vector_store_idx %arg11[%sub3A_113], %get3A_119 masked %gt3A_107 : memref<4112xf32, #tpu.memory_space<vmem>>[vector<16xi32>], vector<16xf32>, vector<16xi1>
      %reduce_sum3A = arith.constant true
      %reduce_sum3A_120 = vector.broadcast %reduce_sum3A : i1 to vector<16xi1>
      %reduce_sum3A_121 = tpu.scan <sum>, %convert_element_type3A_108 masked %reduce_sum3A_120 : vector<16xi32>, vector<16xi1> -> vector<16xi32>
      %reduce_sum3A_122 = vector.extract %reduce_sum3A_121[15] : i32 from vector<16xi32>
      %add3A_123 = arith.addi %scan3A_100, %reduce_sum3A_122 : i32
      scf.yield %add3A_123 : i32
    }
    %scan3A_16 = arith.constant 256 : i32
    %add3A_17 = vector.broadcast %scan3A_15 : i32 to vector<16xi32>
    %add3A_18 = arith.addi %add3A_17, %iota3A : vector<16xi32>
    tpu.vector_store_idx %arg10[%add3A_18], %broadcast_in_dim3A_8 : memref<4112xi32, #tpu.memory_space<vmem>>[vector<16xi32>], vector<16xi32>,
    %add3A_19 = vector.broadcast %scan3A_15 : i32 to vector<16xi32>
    %add3A_20 = arith.addi %add3A_19, %iota3A : vector<16xi32>
    tpu.vector_store_idx %arg11[%add3A_20], %broadcast_in_dim3A_10 : memref<4112xf32, #tpu.memory_space<vmem>>[vector<16xi32>], vector<16xf32>,
    %add3A_21 = arith.constant 16 : i32
    %add3A_22 = arith.addi %scan3A_15, %add3A_21 : i32
    %sub3A = arith.constant 1 : i32
    %sub3A_23 = arith.subi %add3A_22, %sub3A : i32
    %jit3A = arith.constant 16 : i32
    %div3A = arith.divsi %sub3A_23, %jit3A : i32
    %sign3A = arith.constant 0 : i32
    %sign3A_24 = arith.cmpi sgt, %sub3A_23, %sign3A : i32
    %sign3A_25 = arith.extui %sign3A_24 : i1 to i32
    %sign3A_26 = arith.constant 0 : i32
    %sign3A_27 = arith.cmpi slt, %sub3A_23, %sign3A_26 : i32
    %sign3A_28 = arith.extui %sign3A_27 : i1 to i32
    %sign3A_29 = arith.subi %sign3A_25, %sign3A_28 : i32
    %sign3A_30 = arith.constant 0 : i32
    %sign3A_31 = arith.cmpi sgt, %jit3A, %sign3A_30 : i32
    %sign3A_32 = arith.extui %sign3A_31 : i1 to i32
    %sign3A_33 = arith.constant 0 : i32
    %sign3A_34 = arith.cmpi slt, %jit3A, %sign3A_33 : i32
    %sign3A_35 = arith.extui %sign3A_34 : i1 to i32
    %sign3A_36 = arith.subi %sign3A_32, %sign3A_35 : i32
    %ne3A = arith.cmpi ne, %sign3A_29, %sign3A_36 : i32
    %rem3A = arith.remsi %sub3A_23, %jit3A : i32
    %ne3A_37 = arith.constant 0 : i32
    %ne3A_38 = arith.cmpi ne, %rem3A, %ne3A_37 : i32
    %and3A = arith.andi %ne3A, %ne3A_38 : i1
    %sub3A_39 = arith.constant 1 : i32
    %sub3A_40 = arith.subi %div3A, %sub3A_39 : i32
    %select_n3A = arith.select %and3A, %sub3A_40, %div3A : i32
    %mul3A_41 = arith.constant 16 : i32
    %mul3A_42 = arith.muli %select_n3A, %mul3A_41 : i32
    %sub3A_43 = arith.subi %mul3A_42, %scan3A_15 : i32
    %broadcast_in_dim3A_44 = vector.broadcast %sub3A_43 : i32 to vector<16xi32>
    %convert_element_type3A = arith.sitofp %broadcast_in_dim3A_44 : vector<16xi32> to vector<16xf32>
    %scan3A_45 = arith.constant 0 : i32
    %scan3A_46 = arith.constant 0 : i32
    %scan3A_47 = arith.constant 2 : i32
    %scan3A_48 = arith.addi %scan3A_46, %scan3A_47 : i32
    %scan3A_49 = arith.constant 1 : i32
    %scan3A_50 = scf.for %scan3A_99 = %scan3A_46 to %scan3A_48 step %scan3A_49 iter_args(%scan3A_100 = %scan3A_45) -> (i32)  : i32 {
      %mul3A_101 = arith.constant 16 : i32
      %mul3A_102 = arith.muli %scan3A_99, %mul3A_101 : i32
      %get3A_103 = arith.index_cast %mul3A_102 : i32 to index
      %get3A_104 = tpu.vector_load %arg9[%get3A_103] {strides = array<i32>} : memref<48xf32, #tpu.memory_space<vmem>>, vector<16xf32>,
      %gt3A_105 = arith.constant 0.000000e+00 : f32
      %gt3A_106 = vector.broadcast %gt3A_105 : f32 to vector<16xf32>
      %gt3A_107 = arith.cmpf ogt, %get3A_104, %gt3A_106 : vector<16xf32>
      %convert_element_type3A_108 = arith.extui %gt3A_107 : vector<16xi1> to vector<16xi32>
      %broadcast_in_dim3A_109 = vector.broadcast %scan3A_100 : i32 to vector<16xi32>
      %broadcast_in_dim3A_110 = arith.constant true
      %broadcast_in_dim3A_111 = vector.broadcast %broadcast_in_dim3A_110 : i1 to vector<16xi1>
      %masked_cumsum3A = tpu.scan <sum>, %convert_element_type3A_108 masked %broadcast_in_dim3A_111 : vector<16xi32>, vector<16xi1> -> vector<16xi32>
      %add3A_112 = arith.addi %broadcast_in_dim3A_109, %masked_cumsum3A : vector<16xi32>
      %sub3A_113 = arith.subi %add3A_112, %convert_element_type3A_108 : vector<16xi32>
      %add3A_114 = arith.addi %add3A_4, %mul3A_102 : i32
      %add3A_115 = vector.broadcast %add3A_114 : i32 to vector<16xi32>
      %add3A_116 = arith.addi %add3A_115, %iota3A : vector<16xi32>
      tpu.vector_store_idx %arg12[%sub3A_113], %add3A_116 masked %gt3A_107 : memref<48xi32, #tpu.memory_space<vmem>>[vector<16xi32>], vector<16xi32>, vector<16xi1>
      %reduce_sum3A = arith.constant true
      %reduce_sum3A_117 = vector.broadcast %reduce_sum3A : i1 to vector<16xi1>
      %reduce_sum3A_118 = tpu.scan <sum>, %convert_element_type3A_108 masked %reduce_sum3A_117 : vector<16xi32>, vector<16xi1> -> vector<16xi32>
      %reduce_sum3A_119 = vector.extract %reduce_sum3A_118[15] : i32 from vector<16xi32>
      %add3A_120 = arith.addi %scan3A_100, %reduce_sum3A_119 : i32
      scf.yield %add3A_120 : i32
    }
    %scan3A_51 = arith.constant 2 : i32
    %add3A_52 = vector.broadcast %scan3A_50 : i32 to vector<16xi32>
    %add3A_53 = arith.addi %add3A_52, %iota3A : vector<16xi32>
    %broadcast_in_dim3A_54 = vector.broadcast %add3A_4 : i32 to vector<16xi32>
    tpu.vector_store_idx %arg12[%add3A_53], %broadcast_in_dim3A_54 : memref<48xi32, #tpu.memory_space<vmem>>[vector<16xi32>], vector<16xi32>,
    %add3A_55 = arith.constant 8 : i32
    %add3A_56 = arith.addi %scan3A_50, %add3A_55 : i32
    %sub3A_57 = arith.constant 1 : i32
    %sub3A_58 = arith.subi %add3A_56, %sub3A_57 : i32
    %jit3A_59 = arith.constant 8 : i32
    %div3A_60 = arith.divsi %sub3A_58, %jit3A_59 : i32
    %sign3A_61 = arith.constant 0 : i32
    %sign3A_62 = arith.cmpi sgt, %sub3A_58, %sign3A_61 : i32
    %sign3A_63 = arith.extui %sign3A_62 : i1 to i32
    %sign3A_64 = arith.constant 0 : i32
    %sign3A_65 = arith.cmpi slt, %sub3A_58, %sign3A_64 : i32
    %sign3A_66 = arith.extui %sign3A_65 : i1 to i32
    %sign3A_67 = arith.subi %sign3A_63, %sign3A_66 : i32
    %sign3A_68 = arith.constant 0 : i32
    %sign3A_69 = arith.cmpi sgt, %jit3A_59, %sign3A_68 : i32
    %sign3A_70 = arith.extui %sign3A_69 : i1 to i32
    %sign3A_71 = arith.constant 0 : i32
    %sign3A_72 = arith.cmpi slt, %jit3A_59, %sign3A_71 : i32
    %sign3A_73 = arith.extui %sign3A_72 : i1 to i32
    %sign3A_74 = arith.subi %sign3A_70, %sign3A_73 : i32
    %ne3A_75 = arith.cmpi ne, %sign3A_67, %sign3A_74 : i32
    %rem3A_76 = arith.remsi %sub3A_58, %jit3A_59 : i32
    %ne3A_77 = arith.constant 0 : i32
    %ne3A_78 = arith.cmpi ne, %rem3A_76, %ne3A_77 : i32
    %and3A_79 = arith.andi %ne3A_75, %ne3A_78 : i1
    %sub3A_80 = arith.constant 1 : i32
    %sub3A_81 = arith.subi %div3A_60, %sub3A_80 : i32
    %select_n3A_82 = arith.select %and3A_79, %sub3A_81, %div3A_60 : i32
    %gt3A = arith.constant 0 : i32
    "tpu.trace_stop"() : () -> ()
    "tpu.trace_start"() <{level = 10 : i32, message = "sc_mainloop"}> : () -> ()
    %gt3A_83 = arith.cmpi sgt, %select_n3A_82, %gt3A : i32
    %convert_element_type3A_84 = arith.extui %gt3A_83 : i1 to i32
    %cond3A = arith.constant 0 : i32
    %cond3A_85 = arith.cmpi ne, %convert_element_type3A_84, %cond3A : i32
    scf.if %cond3A_85 {
      %rem3A_99 = arith.constant 0 : i32
      %rem3A_100 = arith.constant 2 : i32
      %rem3A_101 = arith.remsi %rem3A_99, %rem3A_100 : i32
      %eq3A = arith.constant 0 : i32
      %eq3A_102 = arith.cmpi eq, %rem3A_101, %eq3A : i32
      %convert_element_type3A_103 = arith.extui %eq3A_102 : i1 to i32
      %cond3A_104 = arith.constant 0 : i32
      %cond3A_105 = arith.cmpi ne, %convert_element_type3A_103, %cond3A_104 : i32
      scf.if %cond3A_105 {
        %dma_start3A = arith.constant 0 : i32
        %dma_start3A_114 = arith.constant 0 : i32
        %dma_start3A_115 = tpu.memref_slice %arg13[%dma_start3A, %dma_start3A_114] : memref<16x4096xf32, #tpu.memory_space<vmem>> -> memref<8x4096xf32, #tpu.memory_space<vmem>>
        %dma_start3A_116 = arith.constant 0 : i32
        %dma_start3A_117 = tpu.memref_slice %arg12[%dma_start3A_116] : memref<48xi32, #tpu.memory_space<vmem>> -> memref<8xi32, #tpu.memory_space<vmem>>
        %dma_start3A_118 = arith.constant 0 : i32
        %dma_start3A_119 = arith.constant 0 : i32
        %dma_start3A_120 = tpu.memref_slice %arg2[%dma_start3A_118, %dma_start3A_119] : memref<4096x4096xf32, #tpu.memory_space<hbm>> -> memref<4096x4096xf32, #tpu.memory_space<hbm>>
        tpu.enqueue_indirect_dma source(%dma_start3A_120 : memref<4096x4096xf32, #tpu.memory_space<hbm>>) target(%dma_start3A_115 : memref<8x4096xf32, #tpu.memory_space<vmem>>) offsets(%dma_start3A_117 : memref<8xi32, #tpu.memory_space<vmem>>) semaphore(%arg15 : memref<!tpu.dma_semaphore, #tpu.memory_space<semaphore_mem>>)
      } else {
      }
      %rem3A_106 = arith.constant 0 : i32
      %rem3A_107 = arith.constant 2 : i32
      %rem3A_108 = arith.remsi %rem3A_106, %rem3A_107 : i32
      %eq3A_109 = arith.constant 1 : i32
      %eq3A_110 = arith.cmpi eq, %rem3A_108, %eq3A_109 : i32
      %convert_element_type3A_111 = arith.extui %eq3A_110 : i1 to i32
      %cond3A_112 = arith.constant 0 : i32
      %cond3A_113 = arith.cmpi ne, %convert_element_type3A_111, %cond3A_112 : i32
      scf.if %cond3A_113 {
        %dma_start3A = arith.constant 8 : i32
        %dma_start3A_114 = arith.constant 0 : i32
        %dma_start3A_115 = tpu.memref_slice %arg13[%dma_start3A, %dma_start3A_114] : memref<16x4096xf32, #tpu.memory_space<vmem>> -> memref<8x4096xf32, #tpu.memory_space<vmem>>
        %dma_start3A_116 = arith.constant 0 : i32
        %dma_start3A_117 = tpu.memref_slice %arg12[%dma_start3A_116] : memref<48xi32, #tpu.memory_space<vmem>> -> memref<8xi32, #tpu.memory_space<vmem>>
        %dma_start3A_118 = arith.constant 0 : i32
        %dma_start3A_119 = arith.constant 0 : i32
        %dma_start3A_120 = tpu.memref_slice %arg2[%dma_start3A_118, %dma_start3A_119] : memref<4096x4096xf32, #tpu.memory_space<hbm>> -> memref<4096x4096xf32, #tpu.memory_space<hbm>>
        tpu.enqueue_indirect_dma source(%dma_start3A_120 : memref<4096x4096xf32, #tpu.memory_space<hbm>>) target(%dma_start3A_115 : memref<8x4096xf32, #tpu.memory_space<vmem>>) offsets(%dma_start3A_117 : memref<8xi32, #tpu.memory_space<vmem>>) semaphore(%arg16 : memref<!tpu.dma_semaphore, #tpu.memory_space<semaphore_mem>>)
      } else {
      }
    } else {
    }
    %while3A = arith.constant 0 : i32
    %while3A_86 = arith.subi %select_n3A_82, %while3A : i32
    %while3A_87 = arith.addi %while3A, %while3A_86 : i32
    %while3A_88 = arith.constant 1 : i32
    %while3A_89 = arith.divsi %while3A_86, %while3A_88 : i32
    %while3A_90 = arith.muli %while3A_89, %while3A_88 : i32
    %while3A_91 = arith.addi %while3A, %while3A_90 : i32
    %while3A_92 = arith.constant 1 : i32
    %while3A_93 = scf.for %while3A_99 = %while3A to %while3A_91 step %while3A_92 iter_args(%while3A_100 = %broadcast_in_dim3A_10) -> (vector<16xf32>)  : i32 {
      %rem3A_101 = arith.constant 2 : i32
      %rem3A_102 = arith.remsi %while3A_99, %rem3A_101 : i32
      %add3A_103 = arith.constant 1 : i32
      %add3A_104 = arith.addi %while3A_99, %add3A_103 : i32
      %lt3A = arith.cmpi slt, %add3A_104, %select_n3A_82 : i32
      %convert_element_type3A_105 = arith.extui %lt3A : i1 to i32
      %cond3A_106 = arith.constant 0 : i32
      %cond3A_107 = arith.cmpi ne, %convert_element_type3A_105, %cond3A_106 : i32
      scf.if %cond3A_107 {
        %add3A_271 = arith.constant 1 : i32
        %add3A_272 = arith.addi %while3A_99, %add3A_271 : i32
        %mul3A_273 = arith.constant 8 : i32
        %mul3A_274 = arith.muli %add3A_272, %mul3A_273 : i32
        %rem3A_275 = arith.constant 2 : i32
        %rem3A_276 = arith.remsi %add3A_272, %rem3A_275 : i32
        %eq3A_277 = arith.constant 0 : i32
        %eq3A_278 = arith.cmpi eq, %rem3A_276, %eq3A_277 : i32
        %convert_element_type3A_279 = arith.extui %eq3A_278 : i1 to i32
        %cond3A_280 = arith.constant 0 : i32
        %cond3A_281 = arith.cmpi ne, %convert_element_type3A_279, %cond3A_280 : i32
        scf.if %cond3A_281 {
          %dma_start3A = arith.constant 0 : i32
          %dma_start3A_289 = arith.constant 0 : i32
          %dma_start3A_290 = tpu.memref_slice %arg13[%dma_start3A, %dma_start3A_289] : memref<16x4096xf32, #tpu.memory_space<vmem>> -> memref<8x4096xf32, #tpu.memory_space<vmem>>
          %dma_start3A_291 = tpu.memref_slice %arg12[%mul3A_274] : memref<48xi32, #tpu.memory_space<vmem>> -> memref<8xi32, #tpu.memory_space<vmem>>
          %dma_start3A_292 = arith.constant 0 : i32
          %dma_start3A_293 = arith.constant 0 : i32
          %dma_start3A_294 = tpu.memref_slice %arg2[%dma_start3A_292, %dma_start3A_293] : memref<4096x4096xf32, #tpu.memory_space<hbm>> -> memref<4096x4096xf32, #tpu.memory_space<hbm>>
          tpu.enqueue_indirect_dma source(%dma_start3A_294 : memref<4096x4096xf32, #tpu.memory_space<hbm>>) target(%dma_start3A_290 : memref<8x4096xf32, #tpu.memory_space<vmem>>) offsets(%dma_start3A_291 : memref<8xi32, #tpu.memory_space<vmem>>) semaphore(%arg15 : memref<!tpu.dma_semaphore, #tpu.memory_space<semaphore_mem>>)
        } else {
        }
        %rem3A_282 = arith.constant 2 : i32
        %rem3A_283 = arith.remsi %add3A_272, %rem3A_282 : i32
        %eq3A_284 = arith.constant 1 : i32
        %eq3A_285 = arith.cmpi eq, %rem3A_283, %eq3A_284 : i32
        %convert_element_type3A_286 = arith.extui %eq3A_285 : i1 to i32
        %cond3A_287 = arith.constant 0 : i32
        %cond3A_288 = arith.cmpi ne, %convert_element_type3A_286, %cond3A_287 : i32
        scf.if %cond3A_288 {
          %dma_start3A = arith.constant 8 : i32
          %dma_start3A_289 = arith.constant 0 : i32
          %dma_start3A_290 = tpu.memref_slice %arg13[%dma_start3A, %dma_start3A_289] : memref<16x4096xf32, #tpu.memory_space<vmem>> -> memref<8x4096xf32, #tpu.memory_space<vmem>>
          %dma_start3A_291 = tpu.memref_slice %arg12[%mul3A_274] : memref<48xi32, #tpu.memory_space<vmem>> -> memref<8xi32, #tpu.memory_space<vmem>>
          %dma_start3A_292 = arith.constant 0 : i32
          %dma_start3A_293 = arith.constant 0 : i32
          %dma_start3A_294 = tpu.memref_slice %arg2[%dma_start3A_292, %dma_start3A_293] : memref<4096x4096xf32, #tpu.memory_space<hbm>> -> memref<4096x4096xf32, #tpu.memory_space<hbm>>
          tpu.enqueue_indirect_dma source(%dma_start3A_294 : memref<4096x4096xf32, #tpu.memory_space<hbm>>) target(%dma_start3A_290 : memref<8x4096xf32, #tpu.memory_space<vmem>>) offsets(%dma_start3A_291 : memref<8xi32, #tpu.memory_space<vmem>>) semaphore(%arg16 : memref<!tpu.dma_semaphore, #tpu.memory_space<semaphore_mem>>)
        } else {
        }
      } else {
      }
      %eq3A = arith.constant 0 : i32
      %eq3A_108 = arith.cmpi eq, %rem3A_102, %eq3A : i32
      %convert_element_type3A_109 = arith.extui %eq3A_108 : i1 to i32
      %cond3A_110 = arith.constant 0 : i32
      %cond3A_111 = arith.cmpi ne, %convert_element_type3A_109, %cond3A_110 : i32
      scf.if %cond3A_111 {
        %dma_wait3A = arith.constant 0 : i32
        %dma_wait3A_271 = arith.constant 0 : i32
        %dma_wait3A_272 = tpu.memref_slice %arg13[%dma_wait3A, %dma_wait3A_271] : memref<16x4096xf32, #tpu.memory_space<vmem>> -> memref<8x4096xf32, #tpu.memory_space<vmem>>
        %dma_wait3A_273 = arith.constant 0 : i32
        %dma_wait3A_274 = tpu.memref_slice %arg12[%dma_wait3A_273] : memref<48xi32, #tpu.memory_space<vmem>> -> memref<8xi32, #tpu.memory_space<vmem>>
        %dma_wait3A_275 = arith.constant 0 : i32
        %dma_wait3A_276 = arith.constant 0 : i32
        %dma_wait3A_277 = tpu.memref_slice %arg2[%dma_wait3A_275, %dma_wait3A_276] : memref<4096x4096xf32, #tpu.memory_space<hbm>> -> memref<4096x4096xf32, #tpu.memory_space<hbm>>
        tpu.wait_indirect_dma semaphore(%arg15 : memref<!tpu.dma_semaphore, #tpu.memory_space<semaphore_mem>>) src(%dma_wait3A_277 : memref<4096x4096xf32, #tpu.memory_space<hbm>>) dst(%dma_wait3A_272 : memref<8x4096xf32, #tpu.memory_space<vmem>>)
      } else {
      }
      %eq3A_112 = arith.constant 1 : i32
      %eq3A_113 = arith.cmpi eq, %rem3A_102, %eq3A_112 : i32
      %convert_element_type3A_114 = arith.extui %eq3A_113 : i1 to i32
      %cond3A_115 = arith.constant 0 : i32
      %cond3A_116 = arith.cmpi ne, %convert_element_type3A_114, %cond3A_115 : i32
      scf.if %cond3A_116 {
        %dma_wait3A = arith.constant 8 : i32
        %dma_wait3A_271 = arith.constant 0 : i32
        %dma_wait3A_272 = tpu.memref_slice %arg13[%dma_wait3A, %dma_wait3A_271] : memref<16x4096xf32, #tpu.memory_space<vmem>> -> memref<8x4096xf32, #tpu.memory_space<vmem>>
        %dma_wait3A_273 = arith.constant 0 : i32
        %dma_wait3A_274 = tpu.memref_slice %arg12[%dma_wait3A_273] : memref<48xi32, #tpu.memory_space<vmem>> -> memref<8xi32, #tpu.memory_space<vmem>>
        %dma_wait3A_275 = arith.constant 0 : i32
        %dma_wait3A_276 = arith.constant 0 : i32
        %dma_wait3A_277 = tpu.memref_slice %arg2[%dma_wait3A_275, %dma_wait3A_276] : memref<4096x4096xf32, #tpu.memory_space<hbm>> -> memref<4096x4096xf32, #tpu.memory_space<hbm>>
        tpu.wait_indirect_dma semaphore(%arg16 : memref<!tpu.dma_semaphore, #tpu.memory_space<semaphore_mem>>) src(%dma_wait3A_277 : memref<4096x4096xf32, #tpu.memory_space<hbm>>) dst(%dma_wait3A_272 : memref<8x4096xf32, #tpu.memory_space<vmem>>)
      } else {
      }
      %mul3A_117 = arith.constant 8 : i32
      %mul3A_118 = arith.muli %rem3A_102, %mul3A_117 : i32
      %mul3A_119 = arith.constant 16 : i32
      %mul3A_120 = arith.muli %select_n3A, %mul3A_119 : i32
      %parallel_loop3A = arith.constant 0 : i32
      %parallel_loop3A_121 = arith.constant 16 : i32
      %parallel_loop3A_122:16 = scf.for %parallel_loop3A_271 = %parallel_loop3A to %mul3A_120 step %parallel_loop3A_121 iter_args(%parallel_loop3A_272 = %broadcast_in_dim3A_10, %parallel_loop3A_273 = %broadcast_in_dim3A_10, %parallel_loop3A_274 = %broadcast_in_dim3A_10, %parallel_loop3A_275 = %broadcast_in_dim3A_10, %parallel_loop3A_276 = %broadcast_in_dim3A_10, %parallel_loop3A_277 = %broadcast_in_dim3A_10, %parallel_loop3A_278 = %broadcast_in_dim3A_10, %parallel_loop3A_279 = %broadcast_in_dim3A_10, %parallel_loop3A_280 = %broadcast_in_dim3A_10, %parallel_loop3A_281 = %broadcast_in_dim3A_10, %parallel_loop3A_282 = %broadcast_in_dim3A_10, %parallel_loop3A_283 = %broadcast_in_dim3A_10, %parallel_loop3A_284 = %broadcast_in_dim3A_10, %parallel_loop3A_285 = %broadcast_in_dim3A_10, %parallel_loop3A_286 = %broadcast_in_dim3A_10, %parallel_loop3A_287 = %broadcast_in_dim3A_10) -> (vector<16xf32>, vector<16xf32>, vector<16xf32>, vector<16xf32>, vector<16xf32>, vector<16xf32>, vector<16xf32>, vector<16xf32>, vector<16xf32>, vector<16xf32>, vector<16xf32>, vector<16xf32>, vector<16xf32>, vector<16xf32>, vector<16xf32>, vector<16xf32>)  : i32 {
        %parallel_loop3A_288 = arith.index_cast %parallel_loop3A_271 : i32 to index
        %parallel_loop3A_289 = tpu.vector_load %arg10[%parallel_loop3A_288] {strides = array<i32>} : memref<4112xi32, #tpu.memory_space<vmem>>, vector<16xi32>,
        %parallel_loop3A_290 = arith.index_cast %parallel_loop3A_271 : i32 to index
        %parallel_loop3A_291 = tpu.vector_load %arg11[%parallel_loop3A_290] {strides = array<i32>} : memref<4112xf32, #tpu.memory_space<vmem>>, vector<16xf32>,
        %parallel_loop3A_292 = arith.constant 0 : i32
        %parallel_loop3A_293 = arith.addi %mul3A_118, %parallel_loop3A_292 : i32
        %parallel_loop3A_294 = vector.broadcast %parallel_loop3A_293 : i32 to vector<16xi32>
        %parallel_loop3A_295 = tpu.vector_load_idx %arg13[%parallel_loop3A_294, %parallel_loop3A_289] : memref<16x4096xf32, #tpu.memory_space<vmem>>[vector<16xi32>, vector<16xi32>], vector<16xf32>,
        %parallel_loop3A_296 = math.exp %parallel_loop3A_295 : vector<16xf32>
        %parallel_loop3A_297 = arith.addf %parallel_loop3A_272, %parallel_loop3A_296 : vector<16xf32>
        %parallel_loop3A_298 = arith.mulf %parallel_loop3A_296, %parallel_loop3A_291 : vector<16xf32>
        %parallel_loop3A_299 = arith.addf %parallel_loop3A_273, %parallel_loop3A_298 : vector<16xf32>
        %parallel_loop3A_300 = arith.constant 1 : i32
        %parallel_loop3A_301 = arith.addi %mul3A_118, %parallel_loop3A_300 : i32
        %parallel_loop3A_302 = vector.broadcast %parallel_loop3A_301 : i32 to vector<16xi32>
        %parallel_loop3A_303 = tpu.vector_load_idx %arg13[%parallel_loop3A_302, %parallel_loop3A_289] : memref<16x4096xf32, #tpu.memory_space<vmem>>[vector<16xi32>, vector<16xi32>], vector<16xf32>,
        %parallel_loop3A_304 = math.exp %parallel_loop3A_303 : vector<16xf32>
        %parallel_loop3A_305 = arith.addf %parallel_loop3A_274, %parallel_loop3A_304 : vector<16xf32>
        %parallel_loop3A_306 = arith.mulf %parallel_loop3A_304, %parallel_loop3A_291 : vector<16xf32>
        %parallel_loop3A_307 = arith.addf %parallel_loop3A_275, %parallel_loop3A_306 : vector<16xf32>
        %parallel_loop3A_308 = arith.constant 2 : i32
        %parallel_loop3A_309 = arith.addi %mul3A_118, %parallel_loop3A_308 : i32
        %parallel_loop3A_310 = vector.broadcast %parallel_loop3A_309 : i32 to vector<16xi32>
        %parallel_loop3A_311 = tpu.vector_load_idx %arg13[%parallel_loop3A_310, %parallel_loop3A_289] : memref<16x4096xf32, #tpu.memory_space<vmem>>[vector<16xi32>, vector<16xi32>], vector<16xf32>,
        %parallel_loop3A_312 = math.exp %parallel_loop3A_311 : vector<16xf32>
        %parallel_loop3A_313 = arith.addf %parallel_loop3A_276, %parallel_loop3A_312 : vector<16xf32>
        %parallel_loop3A_314 = arith.mulf %parallel_loop3A_312, %parallel_loop3A_291 : vector<16xf32>
        %parallel_loop3A_315 = arith.addf %parallel_loop3A_277, %parallel_loop3A_314 : vector<16xf32>
        %parallel_loop3A_316 = arith.constant 3 : i32
        %parallel_loop3A_317 = arith.addi %mul3A_118, %parallel_loop3A_316 : i32
        %parallel_loop3A_318 = vector.broadcast %parallel_loop3A_317 : i32 to vector<16xi32>
        %parallel_loop3A_319 = tpu.vector_load_idx %arg13[%parallel_loop3A_318, %parallel_loop3A_289] : memref<16x4096xf32, #tpu.memory_space<vmem>>[vector<16xi32>, vector<16xi32>], vector<16xf32>,
        %parallel_loop3A_320 = math.exp %parallel_loop3A_319 : vector<16xf32>
        %parallel_loop3A_321 = arith.addf %parallel_loop3A_278, %parallel_loop3A_320 : vector<16xf32>
        %parallel_loop3A_322 = arith.mulf %parallel_loop3A_320, %parallel_loop3A_291 : vector<16xf32>
        %parallel_loop3A_323 = arith.addf %parallel_loop3A_279, %parallel_loop3A_322 : vector<16xf32>
        %parallel_loop3A_324 = arith.constant 4 : i32
        %parallel_loop3A_325 = arith.addi %mul3A_118, %parallel_loop3A_324 : i32
        %parallel_loop3A_326 = vector.broadcast %parallel_loop3A_325 : i32 to vector<16xi32>
        %parallel_loop3A_327 = tpu.vector_load_idx %arg13[%parallel_loop3A_326, %parallel_loop3A_289] : memref<16x4096xf32, #tpu.memory_space<vmem>>[vector<16xi32>, vector<16xi32>], vector<16xf32>,
        %parallel_loop3A_328 = math.exp %parallel_loop3A_327 : vector<16xf32>
        %parallel_loop3A_329 = arith.addf %parallel_loop3A_280, %parallel_loop3A_328 : vector<16xf32>
        %parallel_loop3A_330 = arith.mulf %parallel_loop3A_328, %parallel_loop3A_291 : vector<16xf32>
        %parallel_loop3A_331 = arith.addf %parallel_loop3A_281, %parallel_loop3A_330 : vector<16xf32>
        %parallel_loop3A_332 = arith.constant 5 : i32
        %parallel_loop3A_333 = arith.addi %mul3A_118, %parallel_loop3A_332 : i32
        %parallel_loop3A_334 = vector.broadcast %parallel_loop3A_333 : i32 to vector<16xi32>
        %parallel_loop3A_335 = tpu.vector_load_idx %arg13[%parallel_loop3A_334, %parallel_loop3A_289] : memref<16x4096xf32, #tpu.memory_space<vmem>>[vector<16xi32>, vector<16xi32>], vector<16xf32>,
        %parallel_loop3A_336 = math.exp %parallel_loop3A_335 : vector<16xf32>
        %parallel_loop3A_337 = arith.addf %parallel_loop3A_282, %parallel_loop3A_336 : vector<16xf32>
        %parallel_loop3A_338 = arith.mulf %parallel_loop3A_336, %parallel_loop3A_291 : vector<16xf32>
        %parallel_loop3A_339 = arith.addf %parallel_loop3A_283, %parallel_loop3A_338 : vector<16xf32>
        %parallel_loop3A_340 = arith.constant 6 : i32
        %parallel_loop3A_341 = arith.addi %mul3A_118, %parallel_loop3A_340 : i32
        %parallel_loop3A_342 = vector.broadcast %parallel_loop3A_341 : i32 to vector<16xi32>
        %parallel_loop3A_343 = tpu.vector_load_idx %arg13[%parallel_loop3A_342, %parallel_loop3A_289] : memref<16x4096xf32, #tpu.memory_space<vmem>>[vector<16xi32>, vector<16xi32>], vector<16xf32>,
        %parallel_loop3A_344 = math.exp %parallel_loop3A_343 : vector<16xf32>
        %parallel_loop3A_345 = arith.addf %parallel_loop3A_284, %parallel_loop3A_344 : vector<16xf32>
        %parallel_loop3A_346 = arith.mulf %parallel_loop3A_344, %parallel_loop3A_291 : vector<16xf32>
        %parallel_loop3A_347 = arith.addf %parallel_loop3A_285, %parallel_loop3A_346 : vector<16xf32>
        %parallel_loop3A_348 = arith.constant 7 : i32
        %parallel_loop3A_349 = arith.addi %mul3A_118, %parallel_loop3A_348 : i32
        %parallel_loop3A_350 = vector.broadcast %parallel_loop3A_349 : i32 to vector<16xi32>
        %parallel_loop3A_351 = tpu.vector_load_idx %arg13[%parallel_loop3A_350, %parallel_loop3A_289] : memref<16x4096xf32, #tpu.memory_space<vmem>>[vector<16xi32>, vector<16xi32>], vector<16xf32>,
        %parallel_loop3A_352 = math.exp %parallel_loop3A_351 : vector<16xf32>
        %parallel_loop3A_353 = arith.addf %parallel_loop3A_286, %parallel_loop3A_352 : vector<16xf32>
        %parallel_loop3A_354 = arith.mulf %parallel_loop3A_352, %parallel_loop3A_291 : vector<16xf32>
        %parallel_loop3A_355 = arith.addf %parallel_loop3A_287, %parallel_loop3A_354 : vector<16xf32>
        scf.yield %parallel_loop3A_297, %parallel_loop3A_299, %parallel_loop3A_305, %parallel_loop3A_307, %parallel_loop3A_313, %parallel_loop3A_315, %parallel_loop3A_321, %parallel_loop3A_323, %parallel_loop3A_329, %parallel_loop3A_331, %parallel_loop3A_337, %parallel_loop3A_339, %parallel_loop3A_345, %parallel_loop3A_347, %parallel_loop3A_353, %parallel_loop3A_355 : vector<16xf32>, vector<16xf32>, vector<16xf32>, vector<16xf32>, vector<16xf32>, vector<16xf32>, vector<16xf32>, vector<16xf32>, vector<16xf32>, vector<16xf32>, vector<16xf32>, vector<16xf32>, vector<16xf32>, vector<16xf32>, vector<16xf32>, vector<16xf32>
      } {sc.loop_unroll_factor = 2 : i64, sc.parallel_access}
      %min3A = arith.constant 7 : i32
      %min3A_123 = vector.broadcast %min3A : i32 to vector<16xi32>
      %min3A_124 = arith.minsi %iota3A, %min3A_123 : vector<16xi32>
      %add3A_125 = vector.broadcast %mul3A_118 : i32 to vector<16xi32>
      %add3A_126 = arith.addi %min3A_124, %add3A_125 : vector<16xi32>
      %gather3A = tpu.vector_load_idx %arg13[%add3A_126, %broadcast_in_dim3A_8] : memref<16x4096xf32, #tpu.memory_space<vmem>>[vector<16xi32>, vector<16xi32>], vector<16xf32>,
      %exp3A = math.exp %gather3A : vector<16xf32>
      %eq3A_127 = arith.constant 0 : i32
      %eq3A_128 = vector.broadcast %eq3A_127 : i32 to vector<16xi32>
      %eq3A_129 = arith.cmpi eq, %iota3A, %eq3A_128 : vector<16xi32>
      %reduce_sum3A = arith.constant true
      %reduce_sum3A_130 = vector.broadcast %reduce_sum3A : i1 to vector<16xi1>
      %reduce_sum3A_131 = tpu.scan <sum>, %parallel_loop3A_122#0 masked %reduce_sum3A_130 : vector<16xf32>, vector<16xi1> -> vector<16xf32>
      %reduce_sum3A_132 = vector.extract %reduce_sum3A_131[15] : f32 from vector<16xf32>
      %broadcast_in_dim3A_133 = vector.broadcast %reduce_sum3A_132 : f32 to vector<16xf32>
      %select_n3A_134 = arith.select %eq3A_129, %broadcast_in_dim3A_133, %broadcast_in_dim3A_10 : vector<16xi1>, vector<16xf32>
      %reduce_sum3A_135 = arith.constant true
      %reduce_sum3A_136 = vector.broadcast %reduce_sum3A_135 : i1 to vector<16xi1>
      %reduce_sum3A_137 = tpu.scan <sum>, %parallel_loop3A_122#1 masked %reduce_sum3A_136 : vector<16xf32>, vector<16xi1> -> vector<16xf32>
      %reduce_sum3A_138 = vector.extract %reduce_sum3A_137[15] : f32 from vector<16xf32>
      %broadcast_in_dim3A_139 = vector.broadcast %reduce_sum3A_138 : f32 to vector<16xf32>
      %select_n3A_140 = arith.select %eq3A_129, %broadcast_in_dim3A_139, %broadcast_in_dim3A_10 : vector<16xi1>, vector<16xf32>
      %eq3A_141 = arith.constant 1 : i32
      %eq3A_142 = vector.broadcast %eq3A_141 : i32 to vector<16xi32>
      %eq3A_143 = arith.cmpi eq, %iota3A, %eq3A_142 : vector<16xi32>
      %reduce_sum3A_144 = arith.constant true
      %reduce_sum3A_145 = vector.broadcast %reduce_sum3A_144 : i1 to vector<16xi1>
      %reduce_sum3A_146 = tpu.scan <sum>, %parallel_loop3A_122#2 masked %reduce_sum3A_145 : vector<16xf32>, vector<16xi1> -> vector<16xf32>
      %reduce_sum3A_147 = vector.extract %reduce_sum3A_146[15] : f32 from vector<16xf32>
      %broadcast_in_dim3A_148 = vector.broadcast %reduce_sum3A_147 : f32 to vector<16xf32>
      %select_n3A_149 = arith.select %eq3A_143, %broadcast_in_dim3A_148, %select_n3A_134 : vector<16xi1>, vector<16xf32>
      %reduce_sum3A_150 = arith.constant true
      %reduce_sum3A_151 = vector.broadcast %reduce_sum3A_150 : i1 to vector<16xi1>
      %reduce_sum3A_152 = tpu.scan <sum>, %parallel_loop3A_122#3 masked %reduce_sum3A_151 : vector<16xf32>, vector<16xi1> -> vector<16xf32>
      %reduce_sum3A_153 = vector.extract %reduce_sum3A_152[15] : f32 from vector<16xf32>
      %broadcast_in_dim3A_154 = vector.broadcast %reduce_sum3A_153 : f32 to vector<16xf32>
      %select_n3A_155 = arith.select %eq3A_143, %broadcast_in_dim3A_154, %select_n3A_140 : vector<16xi1>, vector<16xf32>
      %eq3A_156 = arith.constant 2 : i32
      %eq3A_157 = vector.broadcast %eq3A_156 : i32 to vector<16xi32>
      %eq3A_158 = arith.cmpi eq, %iota3A, %eq3A_157 : vector<16xi32>
      %reduce_sum3A_159 = arith.constant true
      %reduce_sum3A_160 = vector.broadcast %reduce_sum3A_159 : i1 to vector<16xi1>
      %reduce_sum3A_161 = tpu.scan <sum>, %parallel_loop3A_122#4 masked %reduce_sum3A_160 : vector<16xf32>, vector<16xi1> -> vector<16xf32>
      %reduce_sum3A_162 = vector.extract %reduce_sum3A_161[15] : f32 from vector<16xf32>
      %broadcast_in_dim3A_163 = vector.broadcast %reduce_sum3A_162 : f32 to vector<16xf32>
      %select_n3A_164 = arith.select %eq3A_158, %broadcast_in_dim3A_163, %select_n3A_149 : vector<16xi1>, vector<16xf32>
      %reduce_sum3A_165 = arith.constant true
      %reduce_sum3A_166 = vector.broadcast %reduce_sum3A_165 : i1 to vector<16xi1>
      %reduce_sum3A_167 = tpu.scan <sum>, %parallel_loop3A_122#5 masked %reduce_sum3A_166 : vector<16xf32>, vector<16xi1> -> vector<16xf32>
      %reduce_sum3A_168 = vector.extract %reduce_sum3A_167[15] : f32 from vector<16xf32>
      %broadcast_in_dim3A_169 = vector.broadcast %reduce_sum3A_168 : f32 to vector<16xf32>
      %select_n3A_170 = arith.select %eq3A_158, %broadcast_in_dim3A_169, %select_n3A_155 : vector<16xi1>, vector<16xf32>
      %eq3A_171 = arith.constant 3 : i32
      %eq3A_172 = vector.broadcast %eq3A_171 : i32 to vector<16xi32>
      %eq3A_173 = arith.cmpi eq, %iota3A, %eq3A_172 : vector<16xi32>
      %reduce_sum3A_174 = arith.constant true
      %reduce_sum3A_175 = vector.broadcast %reduce_sum3A_174 : i1 to vector<16xi1>
      %reduce_sum3A_176 = tpu.scan <sum>, %parallel_loop3A_122#6 masked %reduce_sum3A_175 : vector<16xf32>, vector<16xi1> -> vector<16xf32>
      %reduce_sum3A_177 = vector.extract %reduce_sum3A_176[15] : f32 from vector<16xf32>
      %broadcast_in_dim3A_178 = vector.broadcast %reduce_sum3A_177 : f32 to vector<16xf32>
      %select_n3A_179 = arith.select %eq3A_173, %broadcast_in_dim3A_178, %select_n3A_164 : vector<16xi1>, vector<16xf32>
      %reduce_sum3A_180 = arith.constant true
      %reduce_sum3A_181 = vector.broadcast %reduce_sum3A_180 : i1 to vector<16xi1>
      %reduce_sum3A_182 = tpu.scan <sum>, %parallel_loop3A_122#7 masked %reduce_sum3A_181 : vector<16xf32>, vector<16xi1> -> vector<16xf32>
      %reduce_sum3A_183 = vector.extract %reduce_sum3A_182[15] : f32 from vector<16xf32>
      %broadcast_in_dim3A_184 = vector.broadcast %reduce_sum3A_183 : f32 to vector<16xf32>
      %select_n3A_185 = arith.select %eq3A_173, %broadcast_in_dim3A_184, %select_n3A_170 : vector<16xi1>, vector<16xf32>
      %eq3A_186 = arith.constant 4 : i32
      %eq3A_187 = vector.broadcast %eq3A_186 : i32 to vector<16xi32>
      %eq3A_188 = arith.cmpi eq, %iota3A, %eq3A_187 : vector<16xi32>
      %reduce_sum3A_189 = arith.constant true
      %reduce_sum3A_190 = vector.broadcast %reduce_sum3A_189 : i1 to vector<16xi1>
      %reduce_sum3A_191 = tpu.scan <sum>, %parallel_loop3A_122#8 masked %reduce_sum3A_190 : vector<16xf32>, vector<16xi1> -> vector<16xf32>
      %reduce_sum3A_192 = vector.extract %reduce_sum3A_191[15] : f32 from vector<16xf32>
      %broadcast_in_dim3A_193 = vector.broadcast %reduce_sum3A_192 : f32 to vector<16xf32>
      %select_n3A_194 = arith.select %eq3A_188, %broadcast_in_dim3A_193, %select_n3A_179 : vector<16xi1>, vector<16xf32>
      %reduce_sum3A_195 = arith.constant true
      %reduce_sum3A_196 = vector.broadcast %reduce_sum3A_195 : i1 to vector<16xi1>
      %reduce_sum3A_197 = tpu.scan <sum>, %parallel_loop3A_122#9 masked %reduce_sum3A_196 : vector<16xf32>, vector<16xi1> -> vector<16xf32>
      %reduce_sum3A_198 = vector.extract %reduce_sum3A_197[15] : f32 from vector<16xf32>
      %broadcast_in_dim3A_199 = vector.broadcast %reduce_sum3A_198 : f32 to vector<16xf32>
      %select_n3A_200 = arith.select %eq3A_188, %broadcast_in_dim3A_199, %select_n3A_185 : vector<16xi1>, vector<16xf32>
      %eq3A_201 = arith.constant 5 : i32
      %eq3A_202 = vector.broadcast %eq3A_201 : i32 to vector<16xi32>
      %eq3A_203 = arith.cmpi eq, %iota3A, %eq3A_202 : vector<16xi32>
      %reduce_sum3A_204 = arith.constant true
      %reduce_sum3A_205 = vector.broadcast %reduce_sum3A_204 : i1 to vector<16xi1>
      %reduce_sum3A_206 = tpu.scan <sum>, %parallel_loop3A_122#10 masked %reduce_sum3A_205 : vector<16xf32>, vector<16xi1> -> vector<16xf32>
      %reduce_sum3A_207 = vector.extract %reduce_sum3A_206[15] : f32 from vector<16xf32>
      %broadcast_in_dim3A_208 = vector.broadcast %reduce_sum3A_207 : f32 to vector<16xf32>
      %select_n3A_209 = arith.select %eq3A_203, %broadcast_in_dim3A_208, %select_n3A_194 : vector<16xi1>, vector<16xf32>
      %reduce_sum3A_210 = arith.constant true
      %reduce_sum3A_211 = vector.broadcast %reduce_sum3A_210 : i1 to vector<16xi1>
      %reduce_sum3A_212 = tpu.scan <sum>, %parallel_loop3A_122#11 masked %reduce_sum3A_211 : vector<16xf32>, vector<16xi1> -> vector<16xf32>
      %reduce_sum3A_213 = vector.extract %reduce_sum3A_212[15] : f32 from vector<16xf32>
      %broadcast_in_dim3A_214 = vector.broadcast %reduce_sum3A_213 : f32 to vector<16xf32>
      %select_n3A_215 = arith.select %eq3A_203, %broadcast_in_dim3A_214, %select_n3A_200 : vector<16xi1>, vector<16xf32>
      %eq3A_216 = arith.constant 6 : i32
      %eq3A_217 = vector.broadcast %eq3A_216 : i32 to vector<16xi32>
      %eq3A_218 = arith.cmpi eq, %iota3A, %eq3A_217 : vector<16xi32>
      %reduce_sum3A_219 = arith.constant true
      %reduce_sum3A_220 = vector.broadcast %reduce_sum3A_219 : i1 to vector<16xi1>
      %reduce_sum3A_221 = tpu.scan <sum>, %parallel_loop3A_122#12 masked %reduce_sum3A_220 : vector<16xf32>, vector<16xi1> -> vector<16xf32>
      %reduce_sum3A_222 = vector.extract %reduce_sum3A_221[15] : f32 from vector<16xf32>
      %broadcast_in_dim3A_223 = vector.broadcast %reduce_sum3A_222 : f32 to vector<16xf32>
      %select_n3A_224 = arith.select %eq3A_218, %broadcast_in_dim3A_223, %select_n3A_209 : vector<16xi1>, vector<16xf32>
      %reduce_sum3A_225 = arith.constant true
      %reduce_sum3A_226 = vector.broadcast %reduce_sum3A_225 : i1 to vector<16xi1>
      %reduce_sum3A_227 = tpu.scan <sum>, %parallel_loop3A_122#13 masked %reduce_sum3A_226 : vector<16xf32>, vector<16xi1> -> vector<16xf32>
      %reduce_sum3A_228 = vector.extract %reduce_sum3A_227[15] : f32 from vector<16xf32>
      %broadcast_in_dim3A_229 = vector.broadcast %reduce_sum3A_228 : f32 to vector<16xf32>
      %select_n3A_230 = arith.select %eq3A_218, %broadcast_in_dim3A_229, %select_n3A_215 : vector<16xi1>, vector<16xf32>
      %eq3A_231 = arith.constant 7 : i32
      %eq3A_232 = vector.broadcast %eq3A_231 : i32 to vector<16xi32>
      %eq3A_233 = arith.cmpi eq, %iota3A, %eq3A_232 : vector<16xi32>
      %reduce_sum3A_234 = arith.constant true
      %reduce_sum3A_235 = vector.broadcast %reduce_sum3A_234 : i1 to vector<16xi1>
      %reduce_sum3A_236 = tpu.scan <sum>, %parallel_loop3A_122#14 masked %reduce_sum3A_235 : vector<16xf32>, vector<16xi1> -> vector<16xf32>
      %reduce_sum3A_237 = vector.extract %reduce_sum3A_236[15] : f32 from vector<16xf32>
      %broadcast_in_dim3A_238 = vector.broadcast %reduce_sum3A_237 : f32 to vector<16xf32>
      %select_n3A_239 = arith.select %eq3A_233, %broadcast_in_dim3A_238, %select_n3A_224 : vector<16xi1>, vector<16xf32>
      %reduce_sum3A_240 = arith.constant true
      %reduce_sum3A_241 = vector.broadcast %reduce_sum3A_240 : i1 to vector<16xi1>
      %reduce_sum3A_242 = tpu.scan <sum>, %parallel_loop3A_122#15 masked %reduce_sum3A_241 : vector<16xf32>, vector<16xi1> -> vector<16xf32>
      %reduce_sum3A_243 = vector.extract %reduce_sum3A_242[15] : f32 from vector<16xf32>
      %broadcast_in_dim3A_244 = vector.broadcast %reduce_sum3A_243 : f32 to vector<16xf32>
      %select_n3A_245 = arith.select %eq3A_233, %broadcast_in_dim3A_244, %select_n3A_230 : vector<16xi1>, vector<16xf32>
      %mul3A_246 = arith.mulf %convert_element_type3A, %exp3A : vector<16xf32>
      %sub3A_247 = arith.subf %select_n3A_239, %mul3A_246 : vector<16xf32>
      %mul3A_248 = arith.constant 8 : i32
      %mul3A_249 = arith.muli %while3A_99, %mul3A_248 : i32
      %get3A_250 = arith.index_cast %mul3A_249 : i32 to index
      %get3A_251 = tpu.vector_load %arg12[%get3A_250] {strides = array<i32>} : memref<48xi32, #tpu.memory_space<vmem>>, vector<16xi32>,
      %sub3A_252 = vector.broadcast %add3A_4 : i32 to vector<16xi32>
      %sub3A_253 = arith.subi %get3A_251, %sub3A_252 : vector<16xi32>
      %gather3A_254 = tpu.vector_load_idx %arg8[%sub3A_253] : memref<48xf32, #tpu.memory_space<vmem>>[vector<16xi32>], vector<16xf32>,
      %mul3A_255 = arith.constant 8 : i32
      %mul3A_256 = arith.muli %while3A_99, %mul3A_255 : i32
      %add3A_257 = vector.broadcast %mul3A_256 : i32 to vector<16xi32>
      %add3A_258 = arith.addi %add3A_257, %iota3A : vector<16xi32>
      %lt3A_259 = vector.broadcast %scan3A_50 : i32 to vector<16xi32>
      %lt3A_260 = arith.cmpi slt, %add3A_258, %lt3A_259 : vector<16xi32>
      %lt3A_261 = arith.constant 8 : i32
      %lt3A_262 = vector.broadcast %lt3A_261 : i32 to vector<16xi32>
      %lt3A_263 = arith.cmpi slt, %iota3A, %lt3A_262 : vector<16xi32>
      %and3A_264 = arith.andi %lt3A_260, %lt3A_263 : vector<16xi1>
      %mul3A_265 = arith.mulf %gather3A_254, %get3A_5 : vector<16xf32>
      %add3A_266 = arith.addf %mul3A_265, %select_n3A_245 : vector<16xf32>
      %add3A_267 = arith.addf %sub3A_247, %get3A_7 : vector<16xf32>
      %div3A_268 = arith.divf %add3A_266, %add3A_267 : vector<16xf32>
      %select_n3A_269 = arith.select %and3A_264, %div3A_268, %broadcast_in_dim3A_10 : vector<16xi1>, vector<16xf32>
      %add3A_270 = arith.addf %while3A_100, %select_n3A_269 : vector<16xf32>
      scf.yield %add3A_270 : vector<16xf32>
    }
    %while3A_94 = arith.constant 1 : i32
    %while3A_95 = scf.for %while3A_99 = %while3A_91 to %while3A_87 step %while3A_94 iter_args(%while3A_100 = %while3A_93) -> (vector<16xf32>)  : i32 {
      %rem3A_101 = arith.constant 2 : i32
      %rem3A_102 = arith.remsi %while3A_99, %rem3A_101 : i32
      %add3A_103 = arith.constant 1 : i32
      %add3A_104 = arith.addi %while3A_99, %add3A_103 : i32
      %lt3A = arith.cmpi slt, %add3A_104, %select_n3A_82 : i32
      %convert_element_type3A_105 = arith.extui %lt3A : i1 to i32
      %cond3A_106 = arith.constant 0 : i32
      %cond3A_107 = arith.cmpi ne, %convert_element_type3A_105, %cond3A_106 : i32
      scf.if %cond3A_107 {
        %add3A_271 = arith.constant 1 : i32
        %add3A_272 = arith.addi %while3A_99, %add3A_271 : i32
        %mul3A_273 = arith.constant 8 : i32
        %mul3A_274 = arith.muli %add3A_272, %mul3A_273 : i32
        %rem3A_275 = arith.constant 2 : i32
        %rem3A_276 = arith.remsi %add3A_272, %rem3A_275 : i32
        %eq3A_277 = arith.constant 0 : i32
        %eq3A_278 = arith.cmpi eq, %rem3A_276, %eq3A_277 : i32
        %convert_element_type3A_279 = arith.extui %eq3A_278 : i1 to i32
        %cond3A_280 = arith.constant 0 : i32
        %cond3A_281 = arith.cmpi ne, %convert_element_type3A_279, %cond3A_280 : i32
        scf.if %cond3A_281 {
          %dma_start3A = arith.constant 0 : i32
          %dma_start3A_289 = arith.constant 0 : i32
          %dma_start3A_290 = tpu.memref_slice %arg13[%dma_start3A, %dma_start3A_289] : memref<16x4096xf32, #tpu.memory_space<vmem>> -> memref<8x4096xf32, #tpu.memory_space<vmem>>
          %dma_start3A_291 = tpu.memref_slice %arg12[%mul3A_274] : memref<48xi32, #tpu.memory_space<vmem>> -> memref<8xi32, #tpu.memory_space<vmem>>
          %dma_start3A_292 = arith.constant 0 : i32
          %dma_start3A_293 = arith.constant 0 : i32
          %dma_start3A_294 = tpu.memref_slice %arg2[%dma_start3A_292, %dma_start3A_293] : memref<4096x4096xf32, #tpu.memory_space<hbm>> -> memref<4096x4096xf32, #tpu.memory_space<hbm>>
          tpu.enqueue_indirect_dma source(%dma_start3A_294 : memref<4096x4096xf32, #tpu.memory_space<hbm>>) target(%dma_start3A_290 : memref<8x4096xf32, #tpu.memory_space<vmem>>) offsets(%dma_start3A_291 : memref<8xi32, #tpu.memory_space<vmem>>) semaphore(%arg15 : memref<!tpu.dma_semaphore, #tpu.memory_space<semaphore_mem>>)
        } else {
        }
        %rem3A_282 = arith.constant 2 : i32
        %rem3A_283 = arith.remsi %add3A_272, %rem3A_282 : i32
        %eq3A_284 = arith.constant 1 : i32
        %eq3A_285 = arith.cmpi eq, %rem3A_283, %eq3A_284 : i32
        %convert_element_type3A_286 = arith.extui %eq3A_285 : i1 to i32
        %cond3A_287 = arith.constant 0 : i32
        %cond3A_288 = arith.cmpi ne, %convert_element_type3A_286, %cond3A_287 : i32
        scf.if %cond3A_288 {
          %dma_start3A = arith.constant 8 : i32
          %dma_start3A_289 = arith.constant 0 : i32
          %dma_start3A_290 = tpu.memref_slice %arg13[%dma_start3A, %dma_start3A_289] : memref<16x4096xf32, #tpu.memory_space<vmem>> -> memref<8x4096xf32, #tpu.memory_space<vmem>>
          %dma_start3A_291 = tpu.memref_slice %arg12[%mul3A_274] : memref<48xi32, #tpu.memory_space<vmem>> -> memref<8xi32, #tpu.memory_space<vmem>>
          %dma_start3A_292 = arith.constant 0 : i32
          %dma_start3A_293 = arith.constant 0 : i32
          %dma_start3A_294 = tpu.memref_slice %arg2[%dma_start3A_292, %dma_start3A_293] : memref<4096x4096xf32, #tpu.memory_space<hbm>> -> memref<4096x4096xf32, #tpu.memory_space<hbm>>
          tpu.enqueue_indirect_dma source(%dma_start3A_294 : memref<4096x4096xf32, #tpu.memory_space<hbm>>) target(%dma_start3A_290 : memref<8x4096xf32, #tpu.memory_space<vmem>>) offsets(%dma_start3A_291 : memref<8xi32, #tpu.memory_space<vmem>>) semaphore(%arg16 : memref<!tpu.dma_semaphore, #tpu.memory_space<semaphore_mem>>)
        } else {
        }
      } else {
      }
      %eq3A = arith.constant 0 : i32
      %eq3A_108 = arith.cmpi eq, %rem3A_102, %eq3A : i32
      %convert_element_type3A_109 = arith.extui %eq3A_108 : i1 to i32
      %cond3A_110 = arith.constant 0 : i32
      %cond3A_111 = arith.cmpi ne, %convert_element_type3A_109, %cond3A_110 : i32
      scf.if %cond3A_111 {
        %dma_wait3A = arith.constant 0 : i32
        %dma_wait3A_271 = arith.constant 0 : i32
        %dma_wait3A_272 = tpu.memref_slice %arg13[%dma_wait3A, %dma_wait3A_271] : memref<16x4096xf32, #tpu.memory_space<vmem>> -> memref<8x4096xf32, #tpu.memory_space<vmem>>
        %dma_wait3A_273 = arith.constant 0 : i32
        %dma_wait3A_274 = tpu.memref_slice %arg12[%dma_wait3A_273] : memref<48xi32, #tpu.memory_space<vmem>> -> memref<8xi32, #tpu.memory_space<vmem>>
        %dma_wait3A_275 = arith.constant 0 : i32
        %dma_wait3A_276 = arith.constant 0 : i32
        %dma_wait3A_277 = tpu.memref_slice %arg2[%dma_wait3A_275, %dma_wait3A_276] : memref<4096x4096xf32, #tpu.memory_space<hbm>> -> memref<4096x4096xf32, #tpu.memory_space<hbm>>
        tpu.wait_indirect_dma semaphore(%arg15 : memref<!tpu.dma_semaphore, #tpu.memory_space<semaphore_mem>>) src(%dma_wait3A_277 : memref<4096x4096xf32, #tpu.memory_space<hbm>>) dst(%dma_wait3A_272 : memref<8x4096xf32, #tpu.memory_space<vmem>>)
      } else {
      }
      %eq3A_112 = arith.constant 1 : i32
      %eq3A_113 = arith.cmpi eq, %rem3A_102, %eq3A_112 : i32
      %convert_element_type3A_114 = arith.extui %eq3A_113 : i1 to i32
      %cond3A_115 = arith.constant 0 : i32
      %cond3A_116 = arith.cmpi ne, %convert_element_type3A_114, %cond3A_115 : i32
      scf.if %cond3A_116 {
        %dma_wait3A = arith.constant 8 : i32
        %dma_wait3A_271 = arith.constant 0 : i32
        %dma_wait3A_272 = tpu.memref_slice %arg13[%dma_wait3A, %dma_wait3A_271] : memref<16x4096xf32, #tpu.memory_space<vmem>> -> memref<8x4096xf32, #tpu.memory_space<vmem>>
        %dma_wait3A_273 = arith.constant 0 : i32
        %dma_wait3A_274 = tpu.memref_slice %arg12[%dma_wait3A_273] : memref<48xi32, #tpu.memory_space<vmem>> -> memref<8xi32, #tpu.memory_space<vmem>>
        %dma_wait3A_275 = arith.constant 0 : i32
        %dma_wait3A_276 = arith.constant 0 : i32
        %dma_wait3A_277 = tpu.memref_slice %arg2[%dma_wait3A_275, %dma_wait3A_276] : memref<4096x4096xf32, #tpu.memory_space<hbm>> -> memref<4096x4096xf32, #tpu.memory_space<hbm>>
        tpu.wait_indirect_dma semaphore(%arg16 : memref<!tpu.dma_semaphore, #tpu.memory_space<semaphore_mem>>) src(%dma_wait3A_277 : memref<4096x4096xf32, #tpu.memory_space<hbm>>) dst(%dma_wait3A_272 : memref<8x4096xf32, #tpu.memory_space<vmem>>)
      } else {
      }
      %mul3A_117 = arith.constant 8 : i32
      %mul3A_118 = arith.muli %rem3A_102, %mul3A_117 : i32
      %mul3A_119 = arith.constant 16 : i32
      %mul3A_120 = arith.muli %select_n3A, %mul3A_119 : i32
      %parallel_loop3A = arith.constant 0 : i32
      %parallel_loop3A_121 = arith.constant 16 : i32
      %parallel_loop3A_122:16 = scf.for %parallel_loop3A_271 = %parallel_loop3A to %mul3A_120 step %parallel_loop3A_121 iter_args(%parallel_loop3A_272 = %broadcast_in_dim3A_10, %parallel_loop3A_273 = %broadcast_in_dim3A_10, %parallel_loop3A_274 = %broadcast_in_dim3A_10, %parallel_loop3A_275 = %broadcast_in_dim3A_10, %parallel_loop3A_276 = %broadcast_in_dim3A_10, %parallel_loop3A_277 = %broadcast_in_dim3A_10, %parallel_loop3A_278 = %broadcast_in_dim3A_10, %parallel_loop3A_279 = %broadcast_in_dim3A_10, %parallel_loop3A_280 = %broadcast_in_dim3A_10, %parallel_loop3A_281 = %broadcast_in_dim3A_10, %parallel_loop3A_282 = %broadcast_in_dim3A_10, %parallel_loop3A_283 = %broadcast_in_dim3A_10, %parallel_loop3A_284 = %broadcast_in_dim3A_10, %parallel_loop3A_285 = %broadcast_in_dim3A_10, %parallel_loop3A_286 = %broadcast_in_dim3A_10, %parallel_loop3A_287 = %broadcast_in_dim3A_10) -> (vector<16xf32>, vector<16xf32>, vector<16xf32>, vector<16xf32>, vector<16xf32>, vector<16xf32>, vector<16xf32>, vector<16xf32>, vector<16xf32>, vector<16xf32>, vector<16xf32>, vector<16xf32>, vector<16xf32>, vector<16xf32>, vector<16xf32>, vector<16xf32>)  : i32 {
        %parallel_loop3A_288 = arith.index_cast %parallel_loop3A_271 : i32 to index
        %parallel_loop3A_289 = tpu.vector_load %arg10[%parallel_loop3A_288] {strides = array<i32>} : memref<4112xi32, #tpu.memory_space<vmem>>, vector<16xi32>,
        %parallel_loop3A_290 = arith.index_cast %parallel_loop3A_271 : i32 to index
        %parallel_loop3A_291 = tpu.vector_load %arg11[%parallel_loop3A_290] {strides = array<i32>} : memref<4112xf32, #tpu.memory_space<vmem>>, vector<16xf32>,
        %parallel_loop3A_292 = arith.constant 0 : i32
        %parallel_loop3A_293 = arith.addi %mul3A_118, %parallel_loop3A_292 : i32
        %parallel_loop3A_294 = vector.broadcast %parallel_loop3A_293 : i32 to vector<16xi32>
        %parallel_loop3A_295 = tpu.vector_load_idx %arg13[%parallel_loop3A_294, %parallel_loop3A_289] : memref<16x4096xf32, #tpu.memory_space<vmem>>[vector<16xi32>, vector<16xi32>], vector<16xf32>,
        %parallel_loop3A_296 = math.exp %parallel_loop3A_295 : vector<16xf32>
        %parallel_loop3A_297 = arith.addf %parallel_loop3A_272, %parallel_loop3A_296 : vector<16xf32>
        %parallel_loop3A_298 = arith.mulf %parallel_loop3A_296, %parallel_loop3A_291 : vector<16xf32>
        %parallel_loop3A_299 = arith.addf %parallel_loop3A_273, %parallel_loop3A_298 : vector<16xf32>
        %parallel_loop3A_300 = arith.constant 1 : i32
        %parallel_loop3A_301 = arith.addi %mul3A_118, %parallel_loop3A_300 : i32
        %parallel_loop3A_302 = vector.broadcast %parallel_loop3A_301 : i32 to vector<16xi32>
        %parallel_loop3A_303 = tpu.vector_load_idx %arg13[%parallel_loop3A_302, %parallel_loop3A_289] : memref<16x4096xf32, #tpu.memory_space<vmem>>[vector<16xi32>, vector<16xi32>], vector<16xf32>,
        %parallel_loop3A_304 = math.exp %parallel_loop3A_303 : vector<16xf32>
        %parallel_loop3A_305 = arith.addf %parallel_loop3A_274, %parallel_loop3A_304 : vector<16xf32>
        %parallel_loop3A_306 = arith.mulf %parallel_loop3A_304, %parallel_loop3A_291 : vector<16xf32>
        %parallel_loop3A_307 = arith.addf %parallel_loop3A_275, %parallel_loop3A_306 : vector<16xf32>
        %parallel_loop3A_308 = arith.constant 2 : i32
        %parallel_loop3A_309 = arith.addi %mul3A_118, %parallel_loop3A_308 : i32
        %parallel_loop3A_310 = vector.broadcast %parallel_loop3A_309 : i32 to vector<16xi32>
        %parallel_loop3A_311 = tpu.vector_load_idx %arg13[%parallel_loop3A_310, %parallel_loop3A_289] : memref<16x4096xf32, #tpu.memory_space<vmem>>[vector<16xi32>, vector<16xi32>], vector<16xf32>,
        %parallel_loop3A_312 = math.exp %parallel_loop3A_311 : vector<16xf32>
        %parallel_loop3A_313 = arith.addf %parallel_loop3A_276, %parallel_loop3A_312 : vector<16xf32>
        %parallel_loop3A_314 = arith.mulf %parallel_loop3A_312, %parallel_loop3A_291 : vector<16xf32>
        %parallel_loop3A_315 = arith.addf %parallel_loop3A_277, %parallel_loop3A_314 : vector<16xf32>
        %parallel_loop3A_316 = arith.constant 3 : i32
        %parallel_loop3A_317 = arith.addi %mul3A_118, %parallel_loop3A_316 : i32
        %parallel_loop3A_318 = vector.broadcast %parallel_loop3A_317 : i32 to vector<16xi32>
        %parallel_loop3A_319 = tpu.vector_load_idx %arg13[%parallel_loop3A_318, %parallel_loop3A_289] : memref<16x4096xf32, #tpu.memory_space<vmem>>[vector<16xi32>, vector<16xi32>], vector<16xf32>,
        %parallel_loop3A_320 = math.exp %parallel_loop3A_319 : vector<16xf32>
        %parallel_loop3A_321 = arith.addf %parallel_loop3A_278, %parallel_loop3A_320 : vector<16xf32>
        %parallel_loop3A_322 = arith.mulf %parallel_loop3A_320, %parallel_loop3A_291 : vector<16xf32>
        %parallel_loop3A_323 = arith.addf %parallel_loop3A_279, %parallel_loop3A_322 : vector<16xf32>
        %parallel_loop3A_324 = arith.constant 4 : i32
        %parallel_loop3A_325 = arith.addi %mul3A_118, %parallel_loop3A_324 : i32
        %parallel_loop3A_326 = vector.broadcast %parallel_loop3A_325 : i32 to vector<16xi32>
        %parallel_loop3A_327 = tpu.vector_load_idx %arg13[%parallel_loop3A_326, %parallel_loop3A_289] : memref<16x4096xf32, #tpu.memory_space<vmem>>[vector<16xi32>, vector<16xi32>], vector<16xf32>,
        %parallel_loop3A_328 = math.exp %parallel_loop3A_327 : vector<16xf32>
        %parallel_loop3A_329 = arith.addf %parallel_loop3A_280, %parallel_loop3A_328 : vector<16xf32>
        %parallel_loop3A_330 = arith.mulf %parallel_loop3A_328, %parallel_loop3A_291 : vector<16xf32>
        %parallel_loop3A_331 = arith.addf %parallel_loop3A_281, %parallel_loop3A_330 : vector<16xf32>
        %parallel_loop3A_332 = arith.constant 5 : i32
        %parallel_loop3A_333 = arith.addi %mul3A_118, %parallel_loop3A_332 : i32
        %parallel_loop3A_334 = vector.broadcast %parallel_loop3A_333 : i32 to vector<16xi32>
        %parallel_loop3A_335 = tpu.vector_load_idx %arg13[%parallel_loop3A_334, %parallel_loop3A_289] : memref<16x4096xf32, #tpu.memory_space<vmem>>[vector<16xi32>, vector<16xi32>], vector<16xf32>,
        %parallel_loop3A_336 = math.exp %parallel_loop3A_335 : vector<16xf32>
        %parallel_loop3A_337 = arith.addf %parallel_loop3A_282, %parallel_loop3A_336 : vector<16xf32>
        %parallel_loop3A_338 = arith.mulf %parallel_loop3A_336, %parallel_loop3A_291 : vector<16xf32>
        %parallel_loop3A_339 = arith.addf %parallel_loop3A_283, %parallel_loop3A_338 : vector<16xf32>
        %parallel_loop3A_340 = arith.constant 6 : i32
        %parallel_loop3A_341 = arith.addi %mul3A_118, %parallel_loop3A_340 : i32
        %parallel_loop3A_342 = vector.broadcast %parallel_loop3A_341 : i32 to vector<16xi32>
        %parallel_loop3A_343 = tpu.vector_load_idx %arg13[%parallel_loop3A_342, %parallel_loop3A_289] : memref<16x4096xf32, #tpu.memory_space<vmem>>[vector<16xi32>, vector<16xi32>], vector<16xf32>,
        %parallel_loop3A_344 = math.exp %parallel_loop3A_343 : vector<16xf32>
        %parallel_loop3A_345 = arith.addf %parallel_loop3A_284, %parallel_loop3A_344 : vector<16xf32>
        %parallel_loop3A_346 = arith.mulf %parallel_loop3A_344, %parallel_loop3A_291 : vector<16xf32>
        %parallel_loop3A_347 = arith.addf %parallel_loop3A_285, %parallel_loop3A_346 : vector<16xf32>
        %parallel_loop3A_348 = arith.constant 7 : i32
        %parallel_loop3A_349 = arith.addi %mul3A_118, %parallel_loop3A_348 : i32
        %parallel_loop3A_350 = vector.broadcast %parallel_loop3A_349 : i32 to vector<16xi32>
        %parallel_loop3A_351 = tpu.vector_load_idx %arg13[%parallel_loop3A_350, %parallel_loop3A_289] : memref<16x4096xf32, #tpu.memory_space<vmem>>[vector<16xi32>, vector<16xi32>], vector<16xf32>,
        %parallel_loop3A_352 = math.exp %parallel_loop3A_351 : vector<16xf32>
        %parallel_loop3A_353 = arith.addf %parallel_loop3A_286, %parallel_loop3A_352 : vector<16xf32>
        %parallel_loop3A_354 = arith.mulf %parallel_loop3A_352, %parallel_loop3A_291 : vector<16xf32>
        %parallel_loop3A_355 = arith.addf %parallel_loop3A_287, %parallel_loop3A_354 : vector<16xf32>
        scf.yield %parallel_loop3A_297, %parallel_loop3A_299, %parallel_loop3A_305, %parallel_loop3A_307, %parallel_loop3A_313, %parallel_loop3A_315, %parallel_loop3A_321, %parallel_loop3A_323, %parallel_loop3A_329, %parallel_loop3A_331, %parallel_loop3A_337, %parallel_loop3A_339, %parallel_loop3A_345, %parallel_loop3A_347, %parallel_loop3A_353, %parallel_loop3A_355 : vector<16xf32>, vector<16xf32>, vector<16xf32>, vector<16xf32>, vector<16xf32>, vector<16xf32>, vector<16xf32>, vector<16xf32>, vector<16xf32>, vector<16xf32>, vector<16xf32>, vector<16xf32>, vector<16xf32>, vector<16xf32>, vector<16xf32>, vector<16xf32>
      } {sc.loop_unroll_factor = 2 : i64, sc.parallel_access}
      %min3A = arith.constant 7 : i32
      %min3A_123 = vector.broadcast %min3A : i32 to vector<16xi32>
      %min3A_124 = arith.minsi %iota3A, %min3A_123 : vector<16xi32>
      %add3A_125 = vector.broadcast %mul3A_118 : i32 to vector<16xi32>
      %add3A_126 = arith.addi %min3A_124, %add3A_125 : vector<16xi32>
      %gather3A = tpu.vector_load_idx %arg13[%add3A_126, %broadcast_in_dim3A_8] : memref<16x4096xf32, #tpu.memory_space<vmem>>[vector<16xi32>, vector<16xi32>], vector<16xf32>,
      %exp3A = math.exp %gather3A : vector<16xf32>
      %eq3A_127 = arith.constant 0 : i32
      %eq3A_128 = vector.broadcast %eq3A_127 : i32 to vector<16xi32>
      %eq3A_129 = arith.cmpi eq, %iota3A, %eq3A_128 : vector<16xi32>
      %reduce_sum3A = arith.constant true
      %reduce_sum3A_130 = vector.broadcast %reduce_sum3A : i1 to vector<16xi1>
      %reduce_sum3A_131 = tpu.scan <sum>, %parallel_loop3A_122#0 masked %reduce_sum3A_130 : vector<16xf32>, vector<16xi1> -> vector<16xf32>
      %reduce_sum3A_132 = vector.extract %reduce_sum3A_131[15] : f32 from vector<16xf32>
      %broadcast_in_dim3A_133 = vector.broadcast %reduce_sum3A_132 : f32 to vector<16xf32>
      %select_n3A_134 = arith.select %eq3A_129, %broadcast_in_dim3A_133, %broadcast_in_dim3A_10 : vector<16xi1>, vector<16xf32>
      %reduce_sum3A_135 = arith.constant true
      %reduce_sum3A_136 = vector.broadcast %reduce_sum3A_135 : i1 to vector<16xi1>
      %reduce_sum3A_137 = tpu.scan <sum>, %parallel_loop3A_122#1 masked %reduce_sum3A_136 : vector<16xf32>, vector<16xi1> -> vector<16xf32>
      %reduce_sum3A_138 = vector.extract %reduce_sum3A_137[15] : f32 from vector<16xf32>
      %broadcast_in_dim3A_139 = vector.broadcast %reduce_sum3A_138 : f32 to vector<16xf32>
      %select_n3A_140 = arith.select %eq3A_129, %broadcast_in_dim3A_139, %broadcast_in_dim3A_10 : vector<16xi1>, vector<16xf32>
      %eq3A_141 = arith.constant 1 : i32
      %eq3A_142 = vector.broadcast %eq3A_141 : i32 to vector<16xi32>
      %eq3A_143 = arith.cmpi eq, %iota3A, %eq3A_142 : vector<16xi32>
      %reduce_sum3A_144 = arith.constant true
      %reduce_sum3A_145 = vector.broadcast %reduce_sum3A_144 : i1 to vector<16xi1>
      %reduce_sum3A_146 = tpu.scan <sum>, %parallel_loop3A_122#2 masked %reduce_sum3A_145 : vector<16xf32>, vector<16xi1> -> vector<16xf32>
      %reduce_sum3A_147 = vector.extract %reduce_sum3A_146[15] : f32 from vector<16xf32>
      %broadcast_in_dim3A_148 = vector.broadcast %reduce_sum3A_147 : f32 to vector<16xf32>
      %select_n3A_149 = arith.select %eq3A_143, %broadcast_in_dim3A_148, %select_n3A_134 : vector<16xi1>, vector<16xf32>
      %reduce_sum3A_150 = arith.constant true
      %reduce_sum3A_151 = vector.broadcast %reduce_sum3A_150 : i1 to vector<16xi1>
      %reduce_sum3A_152 = tpu.scan <sum>, %parallel_loop3A_122#3 masked %reduce_sum3A_151 : vector<16xf32>, vector<16xi1> -> vector<16xf32>
      %reduce_sum3A_153 = vector.extract %reduce_sum3A_152[15] : f32 from vector<16xf32>
      %broadcast_in_dim3A_154 = vector.broadcast %reduce_sum3A_153 : f32 to vector<16xf32>
      %select_n3A_155 = arith.select %eq3A_143, %broadcast_in_dim3A_154, %select_n3A_140 : vector<16xi1>, vector<16xf32>
      %eq3A_156 = arith.constant 2 : i32
      %eq3A_157 = vector.broadcast %eq3A_156 : i32 to vector<16xi32>
      %eq3A_158 = arith.cmpi eq, %iota3A, %eq3A_157 : vector<16xi32>
      %reduce_sum3A_159 = arith.constant true
      %reduce_sum3A_160 = vector.broadcast %reduce_sum3A_159 : i1 to vector<16xi1>
      %reduce_sum3A_161 = tpu.scan <sum>, %parallel_loop3A_122#4 masked %reduce_sum3A_160 : vector<16xf32>, vector<16xi1> -> vector<16xf32>
      %reduce_sum3A_162 = vector.extract %reduce_sum3A_161[15] : f32 from vector<16xf32>
      %broadcast_in_dim3A_163 = vector.broadcast %reduce_sum3A_162 : f32 to vector<16xf32>
      %select_n3A_164 = arith.select %eq3A_158, %broadcast_in_dim3A_163, %select_n3A_149 : vector<16xi1>, vector<16xf32>
      %reduce_sum3A_165 = arith.constant true
      %reduce_sum3A_166 = vector.broadcast %reduce_sum3A_165 : i1 to vector<16xi1>
      %reduce_sum3A_167 = tpu.scan <sum>, %parallel_loop3A_122#5 masked %reduce_sum3A_166 : vector<16xf32>, vector<16xi1> -> vector<16xf32>
      %reduce_sum3A_168 = vector.extract %reduce_sum3A_167[15] : f32 from vector<16xf32>
      %broadcast_in_dim3A_169 = vector.broadcast %reduce_sum3A_168 : f32 to vector<16xf32>
      %select_n3A_170 = arith.select %eq3A_158, %broadcast_in_dim3A_169, %select_n3A_155 : vector<16xi1>, vector<16xf32>
      %eq3A_171 = arith.constant 3 : i32
      %eq3A_172 = vector.broadcast %eq3A_171 : i32 to vector<16xi32>
      %eq3A_173 = arith.cmpi eq, %iota3A, %eq3A_172 : vector<16xi32>
      %reduce_sum3A_174 = arith.constant true
      %reduce_sum3A_175 = vector.broadcast %reduce_sum3A_174 : i1 to vector<16xi1>
      %reduce_sum3A_176 = tpu.scan <sum>, %parallel_loop3A_122#6 masked %reduce_sum3A_175 : vector<16xf32>, vector<16xi1> -> vector<16xf32>
      %reduce_sum3A_177 = vector.extract %reduce_sum3A_176[15] : f32 from vector<16xf32>
      %broadcast_in_dim3A_178 = vector.broadcast %reduce_sum3A_177 : f32 to vector<16xf32>
      %select_n3A_179 = arith.select %eq3A_173, %broadcast_in_dim3A_178, %select_n3A_164 : vector<16xi1>, vector<16xf32>
      %reduce_sum3A_180 = arith.constant true
      %reduce_sum3A_181 = vector.broadcast %reduce_sum3A_180 : i1 to vector<16xi1>
      %reduce_sum3A_182 = tpu.scan <sum>, %parallel_loop3A_122#7 masked %reduce_sum3A_181 : vector<16xf32>, vector<16xi1> -> vector<16xf32>
      %reduce_sum3A_183 = vector.extract %reduce_sum3A_182[15] : f32 from vector<16xf32>
      %broadcast_in_dim3A_184 = vector.broadcast %reduce_sum3A_183 : f32 to vector<16xf32>
      %select_n3A_185 = arith.select %eq3A_173, %broadcast_in_dim3A_184, %select_n3A_170 : vector<16xi1>, vector<16xf32>
      %eq3A_186 = arith.constant 4 : i32
      %eq3A_187 = vector.broadcast %eq3A_186 : i32 to vector<16xi32>
      %eq3A_188 = arith.cmpi eq, %iota3A, %eq3A_187 : vector<16xi32>
      %reduce_sum3A_189 = arith.constant true
      %reduce_sum3A_190 = vector.broadcast %reduce_sum3A_189 : i1 to vector<16xi1>
      %reduce_sum3A_191 = tpu.scan <sum>, %parallel_loop3A_122#8 masked %reduce_sum3A_190 : vector<16xf32>, vector<16xi1> -> vector<16xf32>
      %reduce_sum3A_192 = vector.extract %reduce_sum3A_191[15] : f32 from vector<16xf32>
      %broadcast_in_dim3A_193 = vector.broadcast %reduce_sum3A_192 : f32 to vector<16xf32>
      %select_n3A_194 = arith.select %eq3A_188, %broadcast_in_dim3A_193, %select_n3A_179 : vector<16xi1>, vector<16xf32>
      %reduce_sum3A_195 = arith.constant true
      %reduce_sum3A_196 = vector.broadcast %reduce_sum3A_195 : i1 to vector<16xi1>
      %reduce_sum3A_197 = tpu.scan <sum>, %parallel_loop3A_122#9 masked %reduce_sum3A_196 : vector<16xf32>, vector<16xi1> -> vector<16xf32>
      %reduce_sum3A_198 = vector.extract %reduce_sum3A_197[15] : f32 from vector<16xf32>
      %broadcast_in_dim3A_199 = vector.broadcast %reduce_sum3A_198 : f32 to vector<16xf32>
      %select_n3A_200 = arith.select %eq3A_188, %broadcast_in_dim3A_199, %select_n3A_185 : vector<16xi1>, vector<16xf32>
      %eq3A_201 = arith.constant 5 : i32
      %eq3A_202 = vector.broadcast %eq3A_201 : i32 to vector<16xi32>
      %eq3A_203 = arith.cmpi eq, %iota3A, %eq3A_202 : vector<16xi32>
      %reduce_sum3A_204 = arith.constant true
      %reduce_sum3A_205 = vector.broadcast %reduce_sum3A_204 : i1 to vector<16xi1>
      %reduce_sum3A_206 = tpu.scan <sum>, %parallel_loop3A_122#10 masked %reduce_sum3A_205 : vector<16xf32>, vector<16xi1> -> vector<16xf32>
      %reduce_sum3A_207 = vector.extract %reduce_sum3A_206[15] : f32 from vector<16xf32>
      %broadcast_in_dim3A_208 = vector.broadcast %reduce_sum3A_207 : f32 to vector<16xf32>
      %select_n3A_209 = arith.select %eq3A_203, %broadcast_in_dim3A_208, %select_n3A_194 : vector<16xi1>, vector<16xf32>
      %reduce_sum3A_210 = arith.constant true
      %reduce_sum3A_211 = vector.broadcast %reduce_sum3A_210 : i1 to vector<16xi1>
      %reduce_sum3A_212 = tpu.scan <sum>, %parallel_loop3A_122#11 masked %reduce_sum3A_211 : vector<16xf32>, vector<16xi1> -> vector<16xf32>
      %reduce_sum3A_213 = vector.extract %reduce_sum3A_212[15] : f32 from vector<16xf32>
      %broadcast_in_dim3A_214 = vector.broadcast %reduce_sum3A_213 : f32 to vector<16xf32>
      %select_n3A_215 = arith.select %eq3A_203, %broadcast_in_dim3A_214, %select_n3A_200 : vector<16xi1>, vector<16xf32>
      %eq3A_216 = arith.constant 6 : i32
      %eq3A_217 = vector.broadcast %eq3A_216 : i32 to vector<16xi32>
      %eq3A_218 = arith.cmpi eq, %iota3A, %eq3A_217 : vector<16xi32>
      %reduce_sum3A_219 = arith.constant true
      %reduce_sum3A_220 = vector.broadcast %reduce_sum3A_219 : i1 to vector<16xi1>
      %reduce_sum3A_221 = tpu.scan <sum>, %parallel_loop3A_122#12 masked %reduce_sum3A_220 : vector<16xf32>, vector<16xi1> -> vector<16xf32>
      %reduce_sum3A_222 = vector.extract %reduce_sum3A_221[15] : f32 from vector<16xf32>
      %broadcast_in_dim3A_223 = vector.broadcast %reduce_sum3A_222 : f32 to vector<16xf32>
      %select_n3A_224 = arith.select %eq3A_218, %broadcast_in_dim3A_223, %select_n3A_209 : vector<16xi1>, vector<16xf32>
      %reduce_sum3A_225 = arith.constant true
      %reduce_sum3A_226 = vector.broadcast %reduce_sum3A_225 : i1 to vector<16xi1>
      %reduce_sum3A_227 = tpu.scan <sum>, %parallel_loop3A_122#13 masked %reduce_sum3A_226 : vector<16xf32>, vector<16xi1> -> vector<16xf32>
      %reduce_sum3A_228 = vector.extract %reduce_sum3A_227[15] : f32 from vector<16xf32>
      %broadcast_in_dim3A_229 = vector.broadcast %reduce_sum3A_228 : f32 to vector<16xf32>
      %select_n3A_230 = arith.select %eq3A_218, %broadcast_in_dim3A_229, %select_n3A_215 : vector<16xi1>, vector<16xf32>
      %eq3A_231 = arith.constant 7 : i32
      %eq3A_232 = vector.broadcast %eq3A_231 : i32 to vector<16xi32>
      %eq3A_233 = arith.cmpi eq, %iota3A, %eq3A_232 : vector<16xi32>
      %reduce_sum3A_234 = arith.constant true
      %reduce_sum3A_235 = vector.broadcast %reduce_sum3A_234 : i1 to vector<16xi1>
      %reduce_sum3A_236 = tpu.scan <sum>, %parallel_loop3A_122#14 masked %reduce_sum3A_235 : vector<16xf32>, vector<16xi1> -> vector<16xf32>
      %reduce_sum3A_237 = vector.extract %reduce_sum3A_236[15] : f32 from vector<16xf32>
      %broadcast_in_dim3A_238 = vector.broadcast %reduce_sum3A_237 : f32 to vector<16xf32>
      %select_n3A_239 = arith.select %eq3A_233, %broadcast_in_dim3A_238, %select_n3A_224 : vector<16xi1>, vector<16xf32>
      %reduce_sum3A_240 = arith.constant true
      %reduce_sum3A_241 = vector.broadcast %reduce_sum3A_240 : i1 to vector<16xi1>
      %reduce_sum3A_242 = tpu.scan <sum>, %parallel_loop3A_122#15 masked %reduce_sum3A_241 : vector<16xf32>, vector<16xi1> -> vector<16xf32>
      %reduce_sum3A_243 = vector.extract %reduce_sum3A_242[15] : f32 from vector<16xf32>
      %broadcast_in_dim3A_244 = vector.broadcast %reduce_sum3A_243 : f32 to vector<16xf32>
      %select_n3A_245 = arith.select %eq3A_233, %broadcast_in_dim3A_244, %select_n3A_230 : vector<16xi1>, vector<16xf32>
      %mul3A_246 = arith.mulf %convert_element_type3A, %exp3A : vector<16xf32>
      %sub3A_247 = arith.subf %select_n3A_239, %mul3A_246 : vector<16xf32>
      %mul3A_248 = arith.constant 8 : i32
      %mul3A_249 = arith.muli %while3A_99, %mul3A_248 : i32
      %get3A_250 = arith.index_cast %mul3A_249 : i32 to index
      %get3A_251 = tpu.vector_load %arg12[%get3A_250] {strides = array<i32>} : memref<48xi32, #tpu.memory_space<vmem>>, vector<16xi32>,
      %sub3A_252 = vector.broadcast %add3A_4 : i32 to vector<16xi32>
      %sub3A_253 = arith.subi %get3A_251, %sub3A_252 : vector<16xi32>
      %gather3A_254 = tpu.vector_load_idx %arg8[%sub3A_253] : memref<48xf32, #tpu.memory_space<vmem>>[vector<16xi32>], vector<16xf32>,
      %mul3A_255 = arith.constant 8 : i32
      %mul3A_256 = arith.muli %while3A_99, %mul3A_255 : i32
      %add3A_257 = vector.broadcast %mul3A_256 : i32 to vector<16xi32>
      %add3A_258 = arith.addi %add3A_257, %iota3A : vector<16xi32>
      %lt3A_259 = vector.broadcast %scan3A_50 : i32 to vector<16xi32>
      %lt3A_260 = arith.cmpi slt, %add3A_258, %lt3A_259 : vector<16xi32>
      %lt3A_261 = arith.constant 8 : i32
      %lt3A_262 = vector.broadcast %lt3A_261 : i32 to vector<16xi32>
      %lt3A_263 = arith.cmpi slt, %iota3A, %lt3A_262 : vector<16xi32>
      %and3A_264 = arith.andi %lt3A_260, %lt3A_263 : vector<16xi1>
      %mul3A_265 = arith.mulf %gather3A_254, %get3A_5 : vector<16xf32>
      %add3A_266 = arith.addf %mul3A_265, %select_n3A_245 : vector<16xf32>
      %add3A_267 = arith.addf %sub3A_247, %get3A_7 : vector<16xf32>
      %div3A_268 = arith.divf %add3A_266, %add3A_267 : vector<16xf32>
      %select_n3A_269 = arith.select %and3A_264, %div3A_268, %broadcast_in_dim3A_10 : vector<16xi1>, vector<16xf32>
      %add3A_270 = arith.addf %while3A_100, %select_n3A_269 : vector<16xf32>
      scf.yield %add3A_270 : vector<16xf32>
    }
    "tpu.trace_stop"() : () -> ()
    %swap3A = arith.constant 0 : index
    %swap3A_96 = tpu.vector_load %arg14[%swap3A] {strides = array<i32>} : memref<16xf32, #tpu.memory_space<vmem>>, vector<16xf32>,
    tpu.vector_store %arg14[%swap3A], %while3A_95 {strides = array<i32>} : memref<16xf32, #tpu.memory_space<vmem>>, vector<16xf32>,
    %mul3A_97 = arith.constant 16 : i32
    %mul3A_98 = arith.muli %add3A, %mul3A_97 : i32
    "tpu.region"() ({
      %run_scoped3A = tpu.sem_alloc : memref<!tpu.dma_semaphore, #tpu.memory_space<semaphore_mem>>
      %dma_start3A = tpu.memref_slice %arg6[%mul3A_98] : memref<512xf32, #tpu.memory_space<hbm>> -> memref<16xf32, #tpu.memory_space<hbm>>
      %dma_start3A_99 = tpu.memref_slice %arg6[%mul3A_98] : memref<512xf32, #tpu.memory_space<hbm>> -> memref<16xf32, #tpu.memory_space<hbm>>
      tpu.enqueue_dma source(%arg14 : memref<16xf32, #tpu.memory_space<vmem>>) target(%dma_start3A_99 : memref<16xf32, #tpu.memory_space<hbm>>) target_semaphore(%run_scoped3A : memref<!tpu.dma_semaphore, #tpu.memory_space<semaphore_mem>>)
      %dma_wait3A = tpu.memref_slice %arg6[%mul3A_98] : memref<512xf32, #tpu.memory_space<hbm>> -> memref<16xf32, #tpu.memory_space<hbm>>
      %dma_wait3A_100 = tpu.memref_slice %arg6[%mul3A_98] : memref<512xf32, #tpu.memory_space<hbm>> -> memref<16xf32, #tpu.memory_space<hbm>>
      tpu.wait_dma2 semaphore(%run_scoped3A : memref<!tpu.dma_semaphore, #tpu.memory_space<semaphore_mem>>) src(%arg14 : memref<16xf32, #tpu.memory_space<vmem>>) dst(%dma_wait3A_100 : memref<16xf32, #tpu.memory_space<hbm>>)
      tpu.yield
    }) : () -> ()
    return
  }
}

module attributes {stable_mosaic.version = 14 : i64} {
  func.func @_prologue_body(%arg0: memref<32x128xf32, #tpu.memory_space<vmem>>, %arg1: memref<32x128xf32, #tpu.memory_space<vmem>>, %arg2: memref<32x128xf32, #tpu.memory_space<vmem>>, %arg3: memref<32x128xf32, #tpu.memory_space<vmem>>, %arg4: memref<66x128xf32, #tpu.memory_space<vmem>>, %arg5: memref<32x128xf32, #tpu.memory_space<vmem>>, %arg6: memref<8x128xf32, #tpu.memory_space<vmem>>) attributes {dimension_semantics = [], scalar_prefetch = 0 : i64, scratch_operands = 0 : i64, tpu.core_type = #tpu.core_type<tc>} {
    %get3A = arith.constant 0 : index
    %get3A_0 = arith.constant 0 : index
    %get3A_1 = vector.load %arg1[%get3A, %get3A_0] : memref<32x128xf32, #tpu.memory_space<vmem>>, vector<32x128xf32>
    %get3A_2 = arith.constant 0 : index
    %get3A_3 = arith.constant 0 : index
    %get3A_4 = vector.load %arg2[%get3A_2, %get3A_3] : memref<32x128xf32, #tpu.memory_space<vmem>>, vector<32x128xf32>
    %get3A_5 = arith.constant 0 : index
    %get3A_6 = arith.constant 0 : index
    %get3A_7 = vector.load %arg3[%get3A_5, %get3A_6] : memref<32x128xf32, #tpu.memory_space<vmem>>, vector<32x128xf32>
    %get3A_8 = arith.constant 0 : index
    %get3A_9 = arith.constant 0 : index
    %get3A_10 = vector.load %arg0[%get3A_8, %get3A_9] : memref<32x128xf32, #tpu.memory_space<vmem>>, vector<32x128xf32>
    %add3A = arith.addf %get3A_1, %get3A_4 : vector<32x128xf32>
    %mul3A = arith.constant 2.000000e+00 : f32
    %mul3A_11 = vector.broadcast %mul3A : f32 to vector<32x128xf32>
    %mul3A_12 = arith.mulf %mul3A_11, %get3A_1 : vector<32x128xf32>
    %mul3A_13 = arith.mulf %mul3A_12, %get3A_4 : vector<32x128xf32>
    %sub3A = arith.subf %add3A, %mul3A_13 : vector<32x128xf32>
    %mul3A_14 = arith.mulf %sub3A, %get3A_7 : vector<32x128xf32>
    %reduce_sum3A = vector.shape_cast %mul3A_14 : vector<32x128xf32> to vector<1x32x128xf32>
    %reduce_sum3A_15 = arith.constant dense<0.000000e+00> : vector<1xf32>
    %reduce_sum3A_16 = vector.multi_reduction <add>, %reduce_sum3A, %reduce_sum3A_15 [1, 2] : vector<1x32x128xf32> to vector<1xf32>
    %reduce_sum3A_17 = vector.shape_cast %reduce_sum3A_16 : vector<1xf32> to vector<1x1x1xf32>
    %reduce_sum3A_18 = vector.extract %reduce_sum3A_17[0, 0, 0] : f32 from vector<1x1x1xf32>
    %add3A_19 = arith.constant 1.000000e+00 : f32
    %add3A_20 = arith.addf %add3A_19, %reduce_sum3A_18 : f32
    %log3A = math.log %add3A_20 : f32
    %gt3A = arith.constant 0.000000e+00 : f32
    %gt3A_21 = vector.broadcast %gt3A : f32 to vector<32x128xf32>
    %gt3A_22 = arith.cmpf ogt, %sub3A, %gt3A_21 : vector<32x128xf32>
    %log3A_23 = math.log %get3A_7 : vector<32x128xf32>
    %sub3A_24 = vector.broadcast %log3A : f32 to vector<32x128xf32>
    %sub3A_25 = arith.subf %log3A_23, %sub3A_24 : vector<32x128xf32>
    %jit3A = arith.constant 0.000000e+00 : f32
    %broadcast_in_dim3A = vector.broadcast %jit3A : f32 to vector<32x128xf32>
    %select_n3A = arith.select %gt3A_22, %sub3A_25, %broadcast_in_dim3A : vector<32x128xi1>, vector<32x128xf32>
    %exp3A = math.exp %get3A_10 : vector<32x128xf32>
    %mul3A_26 = arith.mulf %exp3A, %get3A_4 : vector<32x128xf32>
    %reduce_sum3A_27 = vector.shape_cast %mul3A_26 : vector<32x128xf32> to vector<1x32x128xf32>
    %reduce_sum3A_28 = arith.constant dense<0.000000e+00> : vector<1xf32>
    %reduce_sum3A_29 = vector.multi_reduction <add>, %reduce_sum3A_27, %reduce_sum3A_28 [1, 2] : vector<1x32x128xf32> to vector<1xf32>
    %reduce_sum3A_30 = vector.shape_cast %reduce_sum3A_29 : vector<1xf32> to vector<1x1x1xf32>
    %reduce_sum3A_31 = vector.extract %reduce_sum3A_30[0, 0, 0] : f32 from vector<1x1x1xf32>
    %reduce_sum3A_32 = vector.shape_cast %get3A_4 : vector<32x128xf32> to vector<1x32x128xf32>
    %reduce_sum3A_33 = arith.constant dense<0.000000e+00> : vector<1xf32>
    %reduce_sum3A_34 = vector.multi_reduction <add>, %reduce_sum3A_32, %reduce_sum3A_33 [1, 2] : vector<1x32x128xf32> to vector<1xf32>
    %reduce_sum3A_35 = vector.shape_cast %reduce_sum3A_34 : vector<1xf32> to vector<1x1x1xf32>
    %reduce_sum3A_36 = vector.extract %reduce_sum3A_35[0, 0, 0] : f32 from vector<1x1x1xf32>
    %swap3A = arith.constant 0 : index
    %swap3A_37 = arith.constant 0 : index
    %swap3A_38 = vector.load %arg4[%swap3A, %swap3A_37] : memref<66x128xf32, #tpu.memory_space<vmem>>, vector<32x128xf32>
    tpu.vector_store %arg4[%swap3A, %swap3A_37], %sub3A {strides = array<i32>} : memref<66x128xf32, #tpu.memory_space<vmem>>, vector<32x128xf32>,
    %swap3A_39 = arith.constant 32 : index
    %swap3A_40 = arith.constant 0 : index
    %swap3A_41 = vector.load %arg4[%swap3A_39, %swap3A_40] : memref<66x128xf32, #tpu.memory_space<vmem>>, vector<32x128xf32>
    tpu.vector_store %arg4[%swap3A_39, %swap3A_40], %select_n3A {strides = array<i32>} : memref<66x128xf32, #tpu.memory_space<vmem>>, vector<32x128xf32>,
    %neg3A = arith.constant 0.000000e+00 : f32
    %neg3A_42 = arith.subf %neg3A, %log3A : f32
    %broadcast_in_dim3A_43 = vector.broadcast %neg3A_42 : f32 to vector<1x128xf32>
    %swap3A_44 = arith.constant 64 : index
    %swap3A_45 = arith.constant 0 : index
    %swap3A_46 = vector.load %arg4[%swap3A_44, %swap3A_45] : memref<66x128xf32, #tpu.memory_space<vmem>>, vector<1x128xf32>
    tpu.vector_store %arg4[%swap3A_44, %swap3A_45], %broadcast_in_dim3A_43 {strides = array<i32>} : memref<66x128xf32, #tpu.memory_space<vmem>>, vector<1x128xf32>,
    %broadcast_in_dim3A_47 = vector.broadcast %reduce_sum3A_31 : f32 to vector<1x128xf32>
    %swap3A_48 = arith.constant 65 : index
    %swap3A_49 = arith.constant 0 : index
    %swap3A_50 = vector.load %arg4[%swap3A_48, %swap3A_49] : memref<66x128xf32, #tpu.memory_space<vmem>>, vector<1x128xf32>
    tpu.vector_store %arg4[%swap3A_48, %swap3A_49], %broadcast_in_dim3A_47 {strides = array<i32>} : memref<66x128xf32, #tpu.memory_space<vmem>>, vector<1x128xf32>,
    %swap3A_51 = arith.constant 0 : index
    %swap3A_52 = arith.constant 0 : index
    %swap3A_53 = vector.load %arg5[%swap3A_51, %swap3A_52] : memref<32x128xf32, #tpu.memory_space<vmem>>, vector<32x128xf32>
    tpu.vector_store %arg5[%swap3A_51, %swap3A_52], %mul3A_26 {strides = array<i32>} : memref<32x128xf32, #tpu.memory_space<vmem>>, vector<32x128xf32>,
    %neg3A_54 = arith.constant 0.000000e+00 : f32
    %neg3A_55 = arith.subf %neg3A_54, %log3A : f32
    %stack3A = arith.constant 0.000000e+00 : f32
    %stack3A_56 = arith.constant 0.000000e+00 : f32
    %stack3A_57 = arith.constant 0.000000e+00 : f32
    %stack3A_58 = arith.constant 0.000000e+00 : f32
    %stack3A_59 = arith.constant 0.000000e+00 : f32
    %stack3A_60 = vector.broadcast %neg3A_55 : f32 to vector<1xf32>
    %stack3A_61 = vector.broadcast %reduce_sum3A_31 : f32 to vector<1xf32>
    %stack3A_62 = vector.broadcast %reduce_sum3A_36 : f32 to vector<1xf32>
    %stack3A_63 = vector.broadcast %stack3A : f32 to vector<1xf32>
    %stack3A_64 = vector.broadcast %stack3A_56 : f32 to vector<1xf32>
    %stack3A_65 = vector.broadcast %stack3A_57 : f32 to vector<1xf32>
    %stack3A_66 = vector.broadcast %stack3A_58 : f32 to vector<1xf32>
    %stack3A_67 = vector.broadcast %stack3A_59 : f32 to vector<1xf32>
    %stack3A_68 = tpu.concatenate %stack3A_60, %stack3A_61, %stack3A_62, %stack3A_63, %stack3A_64, %stack3A_65, %stack3A_66, %stack3A_67 in 0 : vector<1xf32>, vector<1xf32>, vector<1xf32>, vector<1xf32>, vector<1xf32>, vector<1xf32>, vector<1xf32>, vector<1xf32> -> vector<8xf32>
    %broadcast_in_dim3A_69 = vector.shape_cast %stack3A_68 : vector<8xf32> to vector<8x1xf32>
    %broadcast_in_dim3A_70 = vector.shape_cast %broadcast_in_dim3A_69 : vector<8x1xf32> to vector<8x1xf32>
    %broadcast_in_dim3A_71 = vector.broadcast %broadcast_in_dim3A_70 : vector<8x1xf32> to vector<8x128xf32>
    %swap3A_72 = arith.constant 0 : index
    %swap3A_73 = arith.constant 0 : index
    %swap3A_74 = vector.load %arg6[%swap3A_72, %swap3A_73] : memref<8x128xf32, #tpu.memory_space<vmem>>, vector<8x128xf32>
    tpu.vector_store %arg6[%swap3A_72, %swap3A_73], %broadcast_in_dim3A_71 {strides = array<i32>} : memref<8x128xf32, #tpu.memory_space<vmem>>, vector<8x128xf32>,
    return
  }
}

module attributes {stable_mosaic.version = 14 : i64} {
  func.func @_tc_rows_body(%arg0: i32, %arg1: memref<512x4096xf32, #tpu.memory_space<vmem>>, %arg2: memref<4096x2xf32, #tpu.memory_space<vmem>>, %arg3: memref<512xf32, #tpu.memory_space<vmem>>, %arg4: memref<512xf32, #tpu.memory_space<vmem>>, %arg5: memref<8x128xf32, #tpu.memory_space<vmem>>, %arg6: memref<512xf32, #tpu.memory_space<vmem>>) attributes {dimension_semantics = [#tpu.dimension_semantics<arbitrary>], iteration_bounds = array<i64: 6>, scalar_prefetch = 0 : i64, scratch_operands = 0 : i64, tpu.core_type = #tpu.core_type<tc>, window_params = [{transform_indices = @transform_0, window_bounds = array<i64: 512, 4096>}, {pipeline_mode = #tpu.pipeline_mode<synchronous>, transform_indices = @transform_1, window_bounds = array<i64: 4096, 2>}, {transform_indices = @transform_2, window_bounds = array<i64: 512>}, {transform_indices = @transform_3, window_bounds = array<i64: 512>}, {pipeline_mode = #tpu.pipeline_mode<synchronous>, transform_indices = @transform_4, window_bounds = array<i64: 8, 128>}, {transform_indices = @transform_5, window_bounds = array<i64: 512>}]} {
    %get3A = arith.constant 0 : index
    %get3A_0 = arith.constant 0 : index
    %get3A_1 = vector.load %arg1[%get3A, %get3A_0] : memref<512x4096xf32, #tpu.memory_space<vmem>>, vector<512x4096xf32>
    %exp3A = math.exp %get3A_1 : vector<512x4096xf32>
    %get3A_2 = arith.constant 0 : index
    %get3A_3 = arith.constant 0 : index
    %get3A_4 = vector.load %arg2[%get3A_2, %get3A_3] : memref<4096x2xf32, #tpu.memory_space<vmem>>, vector<4096x2xf32>
    %dot_general3A = arith.constant dense<0.000000e+00> : vector<512x2xf32>
    %dot_general3A_5 = tpu.matmul %exp3A, %get3A_4, %dot_general3A {dimension_numbers = #tpu.dot_dimension_numbers<[1], [0], [0], [1], [0, 0, 1, 1], [], []>, transpose_lhs_hint = false} : vector<512x4096xf32>, vector<4096x2xf32>, vector<512x2xf32> -> vector<512x2xf32>
    %get3A_6 = arith.constant 0 : index
    %get3A_7 = arith.constant 0 : index
    %get3A_8 = vector.load %arg5[%get3A_6, %get3A_7] : memref<8x128xf32, #tpu.memory_space<vmem>>, vector<8x128xf32>
    %slice3A = vector.extract_strided_slice %get3A_8 {offsets = [0, 0], sizes = [1, 1], strides = [1, 1]} : vector<8x128xf32> to vector<1x1xf32>
    %squeeze3A = vector.extract %slice3A[0, 0] : f32 from vector<1x1xf32>
    %slice3A_9 = vector.extract_strided_slice %get3A_8 {offsets = [1, 0], sizes = [1, 1], strides = [1, 1]} : vector<8x128xf32> to vector<1x1xf32>
    %squeeze3A_10 = vector.extract %slice3A_9[0, 0] : f32 from vector<1x1xf32>
    %get3A_11 = arith.constant 0 : index
    %get3A_12 = vector.load %arg3[%get3A_11] : memref<512xf32, #tpu.memory_space<vmem>>, vector<512xf32>
    %get3A_13 = arith.constant 0 : index
    %get3A_14 = vector.load %arg4[%get3A_13] : memref<512xf32, #tpu.memory_space<vmem>>, vector<512xf32>
    %mul3A = vector.broadcast %squeeze3A : f32 to vector<512xf32>
    %mul3A_15 = arith.mulf %get3A_12, %mul3A : vector<512xf32>
    %slice3A_16 = vector.extract_strided_slice %dot_general3A_5 {offsets = [0, 0], sizes = [512, 1], strides = [1, 1]} : vector<512x2xf32> to vector<512x1xf32>
    %squeeze3A_17 = vector.shape_cast %slice3A_16 : vector<512x1xf32> to vector<512xf32>
    %add3A = arith.addf %mul3A_15, %squeeze3A_17 : vector<512xf32>
    %mul3A_18 = arith.mulf %get3A_14, %add3A : vector<512xf32>
    %slice3A_19 = vector.extract_strided_slice %dot_general3A_5 {offsets = [0, 1], sizes = [512, 1], strides = [1, 1]} : vector<512x2xf32> to vector<512x1xf32>
    %squeeze3A_20 = vector.shape_cast %slice3A_19 : vector<512x1xf32> to vector<512xf32>
    %add3A_21 = vector.broadcast %squeeze3A_10 : f32 to vector<512xf32>
    %add3A_22 = arith.addf %squeeze3A_20, %add3A_21 : vector<512xf32>
    %div3A = arith.divf %mul3A_18, %add3A_22 : vector<512xf32>
    %swap3A = arith.constant 0 : index
    %swap3A_23 = vector.load %arg6[%swap3A] : memref<512xf32, #tpu.memory_space<vmem>>, vector<512xf32>
    tpu.vector_store %arg6[%swap3A], %div3A {strides = array<i32>} : memref<512xf32, #tpu.memory_space<vmem>>, vector<512xf32>,
    return
  }
  func.func @transform_0(%arg0: i32) -> (i32, i32) {
    %c0_i32 = arith.constant 0 : i32
    %c0_i32_0 = arith.constant 0 : i32
    return %arg0, %c0_i32 : i32, i32
  }
  func.func @transform_1(%arg0: i32) -> (i32, i32) {
    %c0_i32 = arith.constant 0 : i32
    %c0_i32_0 = arith.constant 0 : i32
    %c0_i32_1 = arith.constant 0 : i32
    return %c0_i32, %c0_i32_0 : i32, i32
  }
  func.func @transform_2(%arg0: i32) -> i32 {
    %c0_i32 = arith.constant 0 : i32
    return %arg0 : i32
  }
  func.func @transform_3(%arg0: i32) -> i32 {
    %c0_i32 = arith.constant 0 : i32
    return %arg0 : i32
  }
  func.func @transform_4(%arg0: i32) -> (i32, i32) {
    %c0_i32 = arith.constant 0 : i32
    %c0_i32_0 = arith.constant 0 : i32
    %c0_i32_1 = arith.constant 0 : i32
    return %c0_i32, %c0_i32_0 : i32, i32
  }
  func.func @transform_5(%arg0: i32) -> i32 {
    %c0_i32 = arith.constant 0 : i32
    return %arg0 : i32
  }
}

module attributes {stable_mosaic.version = 14 : i64} {
  func.func @_epilogue_body(%arg0: memref<4x128xf32, #tpu.memory_space<vmem>>, %arg1: memref<24x128xf32, #tpu.memory_space<vmem>>, %arg2: memref<8x128xf32, #tpu.memory_space<vmem>>, %arg3: memref<1x1xf32, #tpu.memory_space<vmem>>) attributes {dimension_semantics = [], scalar_prefetch = 0 : i64, scratch_operands = 0 : i64, tpu.core_type = #tpu.core_type<tc>} {
    %get3A = arith.constant 0 : index
    %get3A_0 = arith.constant 0 : index
    %get3A_1 = vector.load %arg0[%get3A, %get3A_0] : memref<4x128xf32, #tpu.memory_space<vmem>>, vector<4x128xf32>
    %reduce_sum3A = vector.shape_cast %get3A_1 : vector<4x128xf32> to vector<1x4x128xf32>
    %reduce_sum3A_2 = arith.constant dense<0.000000e+00> : vector<1xf32>
    %reduce_sum3A_3 = vector.multi_reduction <add>, %reduce_sum3A, %reduce_sum3A_2 [1, 2] : vector<1x4x128xf32> to vector<1xf32>
    %reduce_sum3A_4 = vector.shape_cast %reduce_sum3A_3 : vector<1xf32> to vector<1x1x1xf32>
    %reduce_sum3A_5 = vector.extract %reduce_sum3A_4[0, 0, 0] : f32 from vector<1x1x1xf32>
    %get3A_6 = arith.constant 0 : index
    %get3A_7 = arith.constant 0 : index
    %get3A_8 = vector.load %arg1[%get3A_6, %get3A_7] : memref<24x128xf32, #tpu.memory_space<vmem>>, vector<24x128xf32>
    %reduce_sum3A_9 = vector.shape_cast %get3A_8 : vector<24x128xf32> to vector<1x24x128xf32>
    %reduce_sum3A_10 = arith.constant dense<0.000000e+00> : vector<1xf32>
    %reduce_sum3A_11 = vector.multi_reduction <add>, %reduce_sum3A_9, %reduce_sum3A_10 [1, 2] : vector<1x24x128xf32> to vector<1xf32>
    %reduce_sum3A_12 = vector.shape_cast %reduce_sum3A_11 : vector<1xf32> to vector<1x1x1xf32>
    %reduce_sum3A_13 = vector.extract %reduce_sum3A_12[0, 0, 0] : f32 from vector<1x1x1xf32>
    %add3A = arith.addf %reduce_sum3A_5, %reduce_sum3A_13 : f32
    %neg3A = arith.constant 0.000000e+00 : f32
    %neg3A_14 = arith.subf %neg3A, %add3A : f32
    %get3A_15 = arith.constant 0 : index
    %get3A_16 = arith.constant 0 : index
    %get3A_17 = vector.load %arg2[%get3A_15, %get3A_16] : memref<8x128xf32, #tpu.memory_space<vmem>>, vector<8x128xf32>
    %slice3A = vector.extract_strided_slice %get3A_17 {offsets = [2, 0], sizes = [1, 1], strides = [1, 1]} : vector<8x128xf32> to vector<1x1xf32>
    %squeeze3A = vector.extract %slice3A[0, 0] : f32 from vector<1x1xf32>
    %eq3A = arith.constant 0.000000e+00 : f32
    %eq3A_18 = arith.cmpf oeq, %squeeze3A, %eq3A : f32
    %jit3A = arith.constant 0.000000e+00 : f32
    %select_n3A = arith.select %eq3A_18, %jit3A, %neg3A_14 : f32
    %broadcast_in_dim3A = vector.broadcast %select_n3A : f32 to vector<1x1xf32>
    %swap3A = arith.constant 0 : index
    %swap3A_19 = arith.constant 0 : index
    %swap3A_20 = vector.load %arg3[%swap3A, %swap3A_19] : memref<1x1xf32, #tpu.memory_space<vmem>>, vector<1x1xf32>
    tpu.vector_store %arg3[%swap3A, %swap3A_19], %broadcast_in_dim3A {strides = array<i32>} : memref<1x1xf32, #tpu.memory_space<vmem>>, vector<1x1xf32>,
    return
  }
}

</mosaic_0001>

<sc_bundles>
// kernel: kernel.6.cloned.1.call-start
scs
__scs_entry_jumppad:
0x0: {  	(pc) =	sbr.rel $0x88, $3  }
0x1: {  	(tag) =	ssettag $0x0;
	lr =	simm.s32 $0x1  }
0x2: {  	[smem:$0x3F9C] =	sst lr;
	_ =	strace $0xD0000000  }
0x3: {  	_ = 	snop  }
0x4: {  	_ = 	snop  }
0x5: {  	_ = 	snop  }
0x6: {  	_ = 	snop  }
0x7: {  	_ = 	snop  }
__scs_overlays_trampoline_lowered:
0x8: {  	[smem:$0x3FAB] =	sst s0  }
0x9: {  	[smem:$0x3FAC] =	sst s1  }
0xa: {  	[smem:$0x3FAD] =	sst s2  }
0xb: {  	[smem:$0x3FAE] =	sst s3  }
0xc: {  	[smem:$0x3FAF] =	sst s4  }
0xd: {  	[smem:$0x3FB0] =	sst s5  }
0xe: {  	[smem:$0x3FB1] =	sst s6  }
0xf: {  	[smem:$0x3FB2] =	sst s7  }
0x10: {  	[smem:$0x3FB3] =	sst s8  }
0x11: {  	[smem:$0x3FB4] =	sst s9;
	s0 =	simm.s32 @!p0 $0x0  }
0x12: {  	s1 =	sld [smem:$0x3F9A];
	s0 =	simm.s32 @p0 $0x1  }
0x13: {  	[smem:$0x3FB5] =	sst s0;
	s0 =	simm.s32 @!p1 $0x0  }
0x14: {  	s2 =	sld [smem:$0x3F99];
	s0 =	simm.s32 @p1 $0x1  }
0x15: {  	[smem:$0x3FB6] =	sst s0;
	s0 =	simm.s32 @!p2 $0x0  }
0x16: {  	s3 =	sld [smem:$0x3FDB];
	s0 =	simm.s32 @p2 $0x1  }
0x17: {  	s4 =	simm.s32 $0x1BF5;
	[smem:$0x3FB8] =	sst s0  }
0x18: {  	s0 =	sld [smem:$0x3F9B];
	_ =	swait.ge [sflag:s4], $0x0  }
0x19: {  	s7 =	sld [smem:$0x3F9C]  }
0x1a: {  	s8 =	sadd.s32 $0xFFFFE003, lr  }
0x1b: {  	s9 =	sadd.s32 $0xFFFFFEF7, lr;
	s5 =	simm.s32 $0xFFFFFFFF;
	p2 =	slt.u32 s8, $0xFFFFF086  }
0x1c: {  	p1 =	slt.u32 s9, $0xF7A;
	s5 =	simm.s32 @!p2 $0x0  }
0x1d: {  	s5 =	simm.s32 @p1 $0x1;
	p0 =	seq.s32 s7, s2  }
0x1e: {  	s7 =	smul.u32 @!p0 $0xF7A, s2;
	p2 =	seq.s32 @!p0 s5, $0x0  }
0x1f: {  	s9 =	smul.u32 $0xF7A, s1;
	s8 =	simm.s32 @!p0 $0x1BF5;
	p2 =	por !p2, p0  }
0x20: {  	[sflag:s8] =	ssyncset.s32 @!p0 $0xFFFFF086;
	s6 =	sadd.s32 @!p0 s3, s7;
	s7 =	simm.s32 @!p0 $0x108  }
0x21: {  	s3 =	sadd.s32 s3, s9;
	s6 =	sadd.s32 @!p0 $0x88, s6;
	s7 =	simm.s32 @p2 $0x1082  }
0x22: {  	[simem:s7], [sflag:s8] =	dma.local @!p0 [hbm:s6], $0xF7A  }
0x23: {  	s9 =	sor.u32 $0xD0000000, s2;
	s6 =	simm.s32 $0x108;
	_ =	swait.ge @!p0 [sflag:s8], $0x0  }
0x24: {  	s3 =	sadd.s32 $0x88, s3;
	s6 =	simm.s32 @!p1 $0x1082;
	[sflag:s4] =	ssyncset.s32 $0xFFFFF086  }
0x25: {  	[simem:s6], [sflag:s4] =	dma.local [hbm:s3], $0xF7A  }
0x26: {  	[smem:$0x3F9C] =	sst s1;
	(tag) =	ssettag s2;
	_ =	strace s9  }
0x27: {  	s1 =	sld [smem:$0x3FAC]  }
0x28: {  	s2 =	sld [smem:$0x3FAD]  }
0x29: {  	s4 =	sld [smem:$0x3FAF]  }
0x2a: {  	p0 =	seq.s32 s5, $0x0;
	s5 =	sld [smem:$0x3FB0]  }
0x2b: {  	s6 =	sld [smem:$0x3FB1]  }
0x2c: {  	s7 =	sld [smem:$0x3FB2]  }
0x2d: {  	s3 =	simm.s32 $0x108;
	s8 =	sld [smem:$0x3FB3]  }
0x2e: {  	s3 =	simm.s32 @!p0 $0x1082;
	s9 =	sld [smem:$0x3FB4]  }
0x2f: {  	lr =	sadd.s32 s0, s3;
	s0 =	sld [smem:$0x3FAB]  }
0x30: {  	s3 =	sld [smem:$0x3FAE]  }
0x31: {  	[smem:$0x3FB7] =	sst s10  }
0x32: {  	s10 =	sld [smem:$0x3FB5];
	_ =	sdelay $0x3  }
0x33: {  	p0 =	seq.s32 s10, $0x1;
	s10 =	sld [smem:$0x3FB7];
	_ =	sdelay $0x3  }
0x34: {  	[smem:$0x3FB7] =	sst s10  }
0x35: {  	s10 =	sld [smem:$0x3FB6];
	_ =	sdelay $0x3  }
0x36: {  	p1 =	seq.s32 s10, $0x1;
	s10 =	sld [smem:$0x3FB7];
	_ =	sdelay $0x3  }
0x37: {  	[smem:$0x3FB7] =	sst s10  }
0x38: {  	s10 =	sld [smem:$0x3FB8]  }
0x39: {  	_ = 	snop;
	(pc) =	sbr.ind lr, $3  }
0x3a: {  	_ = 	snop  }
0x3b: {  	_ = 	snop  }
0x3c: {  	p2 =	seq.s32 s10, $0x1;
	s10 =	sld [smem:$0x3FB7]  }
0x3d: {  	_ =	shalt  }
0x3e: {  	_ =	shalt  }
0x3f: {  	_ =	shalt  }
0x40: {  	_ =	shalt  }
0x41: {  	_ =	shalt  }
0x42: {  	_ =	shalt  }
0x43: {  	_ =	shalt  }
0x44: {  	_ =	shalt  }
0x45: {  	_ =	shalt  }
0x46: {  	_ =	shalt  }
0x47: {  	_ =	shalt  }
0x48: {  	_ =	shalt  }
0x49: {  	_ =	shalt  }
0x4a: {  	_ =	shalt  }
0x4b: {  	_ =	shalt  }
0x4c: {  	_ =	shalt  }
0x4d: {  	_ =	shalt  }
0x4e: {  	_ =	shalt  }
0x4f: {  	_ =	shalt  }
0x50: {  	_ =	shalt  }
0x51: {  	_ =	shalt  }
0x52: {  	_ =	shalt  }
0x53: {  	_ =	shalt  }
0x54: {  	_ =	shalt  }
0x55: {  	_ =	shalt  }
0x56: {  	_ =	shalt  }
0x57: {  	_ =	shalt  }
0x58: {  	_ =	shalt  }
0x59: {  	_ =	shalt  }
0x5a: {  	_ =	shalt  }
0x5b: {  	_ =	shalt  }
0x5c: {  	_ =	shalt  }
0x5d: {  	_ =	shalt  }
0x5e: {  	_ =	shalt  }
0x5f: {  	_ =	shalt  }
0x60: {  	_ =	shalt  }
0x61: {  	_ =	shalt  }
0x62: {  	_ =	shalt  }
0x63: {  	_ =	shalt  }
0x64: {  	_ =	shalt  }
0x65: {  	_ =	shalt  }
0x66: {  	_ =	shalt  }
0x67: {  	_ =	shalt  }
0x68: {  	_ =	shalt  }
0x69: {  	_ =	shalt  }
0x6a: {  	_ =	shalt  }
0x6b: {  	_ =	shalt  }
0x6c: {  	_ =	shalt  }
0x6d: {  	_ =	shalt  }
0x6e: {  	_ =	shalt  }
0x6f: {  	_ =	shalt  }
0x70: {  	_ =	shalt  }
0x71: {  	_ =	shalt  }
0x72: {  	_ =	shalt  }
0x73: {  	_ =	shalt  }
0x74: {  	_ =	shalt  }
0x75: {  	_ =	shalt  }
0x76: {  	_ =	shalt  }
0x77: {  	_ =	shalt  }
0x78: {  	_ =	shalt  }
0x79: {  	_ =	shalt  }
0x7a: {  	_ =	shalt  }
0x7b: {  	_ =	shalt  }
0x7c: {  	_ =	shalt  }
0x7d: {  	_ =	shalt  }
0x7e: {  	_ =	shalt  }
0x7f: {  	_ =	shalt  }
0x80: {  	_ =	shalt  }
0x81: {  	_ =	shalt  }
0x82: {  	_ =	shalt  }
0x83: {  	_ =	shalt  }
0x84: {  	_ =	shalt  }
0x85: {  	_ =	shalt  }
0x86: {  	_ =	shalt  }
0x87: {  	_ =	shalt  }
.Lfunc_end0:
.L_simem_size_0:
called_computation_lowered:
.L_overlay_start_0:
0x88: {  	s2 =	sld [smem:$0x3FD9]  }
0x89: {  	s3 =	sld [smem:$0x3FFE];
	_ =	sdelay $0x1  }
0x8a: {  	s1 =	srdreg.scid  }
0x8b: {  	s0 =	sand.u32 $0x1, s1  }
0x8c: {  	s17 =	sshll.u32 s0, $0xA;
	s2 =	sadd.s32 s3, s2  }
0x8d: {  	s2 =	sadd.s32 s2, s17  }
0x8e: {  	[smem:$0x3FC3] =	sst s2  }
0x8f: {  	_ = 	snop  }
0x90: {  	s2 =	sld [smem:$0x3FC8];
	(tm) =	ssettm $0x1  }
0x91: {  	s18 =	sld [smem:$0x3FFB];
	_ =	sdelay $0x3  }
0x92: {  	_ =	strace s18  }
0x93: {  	s3 =	sld [smem:$0x3FFC];
	_ =	sdelay $0x3  }
0x94: {  	_ =	strace s3  }
0x95: {  	s3 =	sld [smem:$0x3FFD];
	_ =	sdelay $0x3  }
0x96: {  	_ =	strace s3  }
0x97: {  	_ =	strace $0x8FFFFFFF  }
0x98: {  	s19 =	sld [smem:$0x3FDB];
	_ =	sdelay $0x1  }
0x99: {  	s4 =	simm.s32 $_scs_section_size  }
0x9a: {  	s5 =	simm.s32 $_size__tile_overlayer_lowered;
	s6 =	simm.s32 $_tile_overlayer_lowered  }
0x9b: {  	s22 =	simm.s32 $0x1BFF;
	s21 =	sshll.u32 s6, $0x1;
	s3 =	sadd.s32 s4, s19  }
0x9c: {  	s7 =	simm.s32 $0x0;
	s20 =	sshll.u32 s5, $0x1;
	s5 =	sadd.s32 s21, s3  }
0x9d: {  	[timem:s7], [sflag:s22] =	dma.local [hbm:s5], s20  }
0x9e: {  	_ =	swait.ge [sflag:s22], s20  }
0x9f: {  	s4 =	ssub.s32 $0x0, s20;
	[sflag:s22] =	ssyncset.done $0x0  }
0xa0: {  	[sflag:s22] =	ssyncadd.s32 s4;
	_ =	sdelay $0x1  }
0xa1: {  	s23 =	simm.s32 $0x1B8B  }
0xa2: {  	_ =	swait.ge [sflag:s23], $0x1  }
0xa3: {  	[sflag:s23] =	ssyncset.done $0x0  }
0xa4: {  	s25 =	simm.s32 $0x1B8E;
	s24 =	sld [smem:$0x3FFE];
	[sflag:s23] =	ssyncadd.s32 $0xFFFFFFFF  }
0xa5: {  	s26 =	simm.s32 $execute0_lowered;
	[smem:$0x3FD2] =	sst s25  }
0xa6: {  	s5 =	sshll.u32 s26, $0x1;
	_ =	strace $0x80000046;
	[dreg:$0x1] =	wrdreg $0xFFFFFFFF  }
0xa7: {  	s28 =	simm.s32 $_size_execute0_lowered;
	s3 =	sadd.s32 s3, s5;
	[dreg:$0x0] =	wrdreg $0x0  }
0xa8: {  	s5 =	sshll.u32 s28, $0x1;
	[dreg:$0x2] =	wrdreg s3  }
0xa9: {  	[dreg:$0x3] =	wrdreg s5  }
0xaa: {  	[dreg:$0x4] =	wrdreg $0xC0  }
0xab: {  	_ =	task [dreg:s7], $0x5FFFF  }
0xac: {  	[dreg:$0x1] =	wrdreg $0xFFFFFFFF  }
0xad: {  	[dreg:$0x0] =	wrdreg $0x60  }
0xae: {  	[dreg:$0x2] =	wrdreg s2  }
0xaf: {  	[dreg:$0x3] =	wrdreg s24  }
0xb0: {  	[dreg:$0x4] =	wrdreg $0x9  }
0xb1: {  	_ =	task.clear_ibuf [dreg:s7], $0x5FFFF;
	_ =	strace $0x90000046  }
0xb2: {  	s29 =	simm.s32 $0x9;
	_ =	strace $0x8000004A  }
0xb3: {  	_ =	swait.ge [sflag:s29], $0x1  }
0xb4: {  	[sflag:s29] =	ssyncadd.s32 $0xFFFFFFFF  }
0xb5: {  	_ =	strace $0x9000004A  }
0xb6: {  	_ =	sfence  }
0xb7: {  	s30 =	sld [smem:$0x0];
	_ =	sdelay $0x2  }
0xb8: {  	s31 =	sshll.u32 s1, $0xD;
	s1 =	sshrl.u32 s1, $0x2  }
0xb9: {  	s3 =	sand.u32 $0x4000, s31;
	s1 =	sadd.s32 s1, s30  }
0xba: {  	s0 =	sor.u32 s3, s0;
	s1 =	sshll.u32 s1, $0x11  }
0xbb: {  	s0 =	sor.u32 s1, s0  }
0xbc: {  	s0 =	sadd.s32 $0x8F2B, s0  }
0xbd: {  	[sflag:s0] =	ssyncadd.remote.s32 $0x1  }
0xbe: {  	_ =	sfence.sel $0xFFFF  }
0xbf: {  	[dreg:$0x0] =	wrdreg $0xFFFFFFFF;
	(pc) =	sbr.abs _section_cstart, $3  }
0xc0: {  	[dreg:$0x1] =	wrdreg $0xFFFFFFFF  }
0xc1: {  	_ =	task.clear_ibuf [dreg:s7], $0x2FFFF;
	_ =	strace $0x9FFFFFFF  }
0xc2: {  	(tm) =	ssettm $0x7FFFFFFF  }
0xc3: {  	_ =	shalt  }
tec
execute0_lowered:
.L_overlay_start_1:
0x0: {  	(tag) =	ssettag $0x1  }
0x1: {  	s21 =	rddreg [dreg:$0x0]  }
0x2: {  	s0 =	rddreg [dreg:$0x1]  }
0x3: {  	s1 =	srdreg.scid;
	s2 =	stileid.u32  }
0x4: {  	s3 =	simm.s32 $0x0;
	s28 =	simm.s32 $0x2200;
	s29 =	simm.s32 $0x3280  }
0x5: {  	s31 =	simm.s32 $0x4380;
	s22 =	simm.s32 $0x0;
	s1 =	sand.u32 $0x1, s1  }
0x6: {  	s2 =	sshll.u32 s2, $0x1;
	[smem:$0x7FF] =	sst s3;
	s5 =	sadd.s32 $0x1C00, s0  }
0x7: {  	s8 =	sadd.s32 $0x200, s21;
	s9 =	sadd.s32 $0x300, s21;
	s10 =	sadd.s32 $0x400, s21  }
0x8: {  	s11 =	sadd.s32 $0x500, s21;
	s12 =	sadd.s32 $0x600, s21;
	s13 =	sadd.s32 $0x700, s21  }
0x9: {  	v1 =	vlaneseq.u32;
	vm1 =	vcmask $0x300;
	v4 =	vimm.s32 $0x380;
	s14 =	sadd.s32 $0x800, s21;
	s15 =	sadd.s32 $0x900, s21;
	s16 =	sadd.s32 $0xA00, s21  }
0xa: {  	vm0 =	vcmask $0x704;
	vm2 =	vcmask $0x1714;
	vm3 =	vcmask $0xB20;
	s17 =	sadd.s32 $0xB00, s21;
	s18 =	sadd.s32 $0xC00, s21;
	s19 =	sadd.s32 $0xD00, s21  }
0xb: {  	vm4 =	vcmask $0xF20;
	vm5 =	vcmask $0x1320;
	vm6 =	vcmask $0x1720;
	s20 =	sadd.s32 $0xE00, s21;
	s2 =	sor.u32 s1, s2;
	_ =	strace $0x80000047  }
0xc: {  	vm7 =	vcmask $0x1B20;
	vm9 =	vmmov $0xff;
	v5 =	vsel vm1, $0x0, v4;
	[dreg:$0x3] =	wrdreg s5;
	s1 =	ssub.s32 $0x2, s1;
	s4 =	sshll.u32 s2, $0x5  }
0xd: {  	v4 =	vimm.s32 $0x0;
	v7 =	vshrl.u32 v1, $0x3;
	v6 =	vsel vm0, $0x80, v5;
	s2 =	sshll.u32 s2, $0x1;
	s7 =	sshrl.u32 s1, $0x1;
	s23 =	sor.u32 $0xC00, s4  }
0xe: {  	vm0 =	vcmask $0xB08;
	v43 =	vsel vm1, $0xF, v4;
	s1 =	ssub.s32 s1, s7;
	s30 =	sor.u32 $0xC10, s4;
	s6 =	sshrl.u32 s23, $0x3;
	v0 =	vor.u32 s23, v1  }
.Ltmp0:
0xf: {  	v6 =	vsel vm0, $0x100, v6;
	vm0 =	vcmask $0xF0C;
	s26 =	smax.u32 s1, $0x1;
	s6 =	sadd.s32 s6, s0;
	[tilespmem:$0x1FFC0] =	vst v0;
	v0 =	vor.u32 s30, v1;
	(pc) =	sbr.rel .LBB2_1-.Ltmp0, $4  }
0x10: {  	s7 =	sadd.s32 $0x100, s21;
	v8 =	vsel vm0, $0x180, v6;
	vm0 =	vcmask $0x1310;
	[dreg:$0x7] =	wrdreg s26;
	s24 =	sadd.s32 $0x2200, s6;
	[tilespmem:$0x1FFD0] =	vst v0;
	v0 =	vand.u32 $0x7, v1  }
0x11: {  	vm1 =	vcmask $0x320;
	s0 =	sadd.s32 s2, s0;
	s25 =	sadd.s32 $0x1A00, s6;
	[dreg:$0x4] =	wrdreg s24;
	[tilespmem:$0x1FFE0] =	vst v0;
	v0 =	vmul.u32 $0x8, v7;
	v7 =	vsel vm0, $0x200, v8  }
0x12: {  	s21 =	sadd.s32 $0xF00, s21;
	v41 =	vmov s23;
	s0 =	sadd.s32 $0x2400, s0;
	[dreg:$0x5] =	wrdreg s25;
	v8 =	vsel vm2, $0x280, v7;
	vm2 =	vcmask $0x1B18  }
0x13: {  	s1 =	simm.s32 $0x3;
	[dreg:$0x6] =	wrdreg s0;
	s25 =	simm.s32 $0x2100;
	vm0 =	vmmov $0xffff;
	[tilespmem:$0x1FFF0] =	vst v0;
	v9 =	vsel vm2, $0x300, v8;
	vm2 =	vcmask $0x720  }
.LBB2_17:
0x14: {  	_ =	strace $0x90000049  }
0x15: {  	[tilespmem:$0x14380] =	vst v11;
	s1 =	simm.s32 $0x14380;
	s0 =	rddreg [dreg:$0x6]  }
0x16: {  	[hbm4b:s0+s3] =	stream.linear.scatter [tilespmem:s1], [sflag:$0x3], $0x10, $0x38;
	[tilespmem:$0x14400] =	vst v63  }
0x17: {  	s1 =	simm.s32 $0x3  }
0x18: {  	_ =	swait.ge [sflag:s1], $0x10  }
0x19: {  	s22 =	sadd.s32 $0x1, s22;
	s30 =	rddreg [dreg:$0x7]  }
0x1a: {  	p0 =	sne.s32 s22, s30  }
.Ltmp1:
0x1b: {  	_ = 	snop;
	(pc) =	sbr.rel @!p0 .LBB2_18-.Ltmp1, $3  }
0x1c: {  	_ =	sdelay $0x1  }
0x1d: {  	[sflag:s1] =	ssyncset.done $0x0  }
0x1e: {  	[sflag:s1] =	ssyncadd.s32 $0xFFFFFFF0  }
.LBB2_1:
0x1f: {  	s0 =	rddreg [dreg:$0x3]  }
0x20: {  	[tilespmem:s3], [sflag:$0x3] =	stream.linear.gather [hbm4b:s0+s3], $0x2100, $0x38;
	[tilespmem:$0x14400] =	vst v63  }
0x21: {  	_ =	swait.ge [sflag:s1], $0x2100  }
0x22: {  	[sflag:s1] =	ssyncset.done $0x0  }
0x23: {  	s24 =	rddreg [dreg:$0x4];
	[sflag:s1] =	ssyncadd.s32 $0xFFFFDF00  }
0x24: {  	[tilespmem:s25], [sflag:$0x3] =	stream.linear.gather [hbm4b:s24+s3], $0x20, $0x38;
	[tilespmem:$0x14400] =	vst v63  }
0x25: {  	_ =	swait.ge [sflag:s1], $0x20  }
0x26: {  	[sflag:s1] =	ssyncset.done $0x0  }
0x27: {  	s2 =	simm.s32 $0x2180;
	s26 =	rddreg [dreg:$0x5];
	[sflag:s1] =	ssyncadd.s32 $0xFFFFFFE0  }
0x28: {  	[tilespmem:s2], [sflag:$0x3] =	stream.linear.gather [hbm4b:s26+s3], $0x20, $0x38;
	[tilespmem:$0x14400] =	vst v63  }
0x29: {  	_ =	swait.ge [sflag:s1], $0x20  }
0x2a: {  	[sflag:s1] =	ssyncset.done $0x0  }
0x2b: {  	[sflag:s1] =	ssyncadd.s32 $0xFFFFFFE0  }
0x2c: {  	v10 =	vld [tilespmem:$0x2000]  }
0x2d: {  	v42 =	vld [tilespmem:$0x2080];
	_ =	strace $0x80000048  }
0x2e: {  	v11 =	vld [tilespmem:s3+$0x0];
	_ =	sdelay $0x4  }
0x2f: {  	vm8 =	vgt.f32 v11, $0.0e+00  }
0x30: {  	v11 =	vsel vm8, $0x1, v4  }
0x31: {  	(xrf0) =	vadd.scan.msk.s32 $0xffff, v11;
	_ =	sdelay $0x5  }
0x32: {  	v12 =	vsel vm8, $0xFFFFFFFF, v4;
	v11, _, _ =	vpop (xrf0)  }
0x33: {  	v12 =	vadd.s32 s3, v12;
	(v2sf) =	vpush v11, $0xF  }
0x34: {  	v11 =	vadd.s32 v11, v12;
	_ =	sdelay $0x3  }
0x35: {  	v63 =	vor.u32 s3, v1  }
0x36: {  	s30 =	sand.u32 $0xFF0, s3;
	[tilespmem:v11+s28+$0x0] =	vst.idx.msk vm8, v63  }
0x37: {  	v12 =	vld [tilespmem:s30+$0x1000];
	_ =	sdelay $0x4  }
0x38: {  	s0 =	simm.s32 $0x10;
	[tilespmem:v11+s29+$0x0] =	vst.idx.msk vm8, v12  }
0x39: {  	v11 =	vld [tilespmem:s0+$0x0]  }
0x3a: {  	s4 =	simm.s32 $0x10  }
0x3b: {  	s2 =	simm.s32 $0x20;
	s1 =	simm.s32 $0x0;
	s5 =	spop (v2sf)  }
.LBB2_2:
0x3c: {  	p0 =	sne.s32 s2, $0xFF0  }
0x3d: {  	s1 =	sadd.s32 s1, s5;
	s5 =	smov.u32 s2;
	s2 =	sadd.s32 $0x10, s2  }
0x3e: {  	vm8 =	vgt.f32 v11, $0.0e+00  }
0x3f: {  	v11 =	vsel vm8, $0xFFFFFFFF, v4;
	v12 =	vsel vm8, $0x1, v4  }
0x40: {  	(xrf0) =	vadd.scan.msk.s32 $0xffff, v12;
	_ =	sdelay $0x5  }
0x41: {  	v11 =	vadd.s32 s1, v11;
	v12, _, _ =	vpop (xrf0)  }
0x42: {  	v11 =	vadd.s32 v12, v11;
	(v2sf) =	vpush v12, $0xF;
	_ =	sdelay $0x3  }
0x43: {  	v12 =	vor.u32 s0, v1  }
0x44: {  	s6 =	sand.u32 $0xFF0, s0;
	s0 =	smov.u32 s5;
	[tilespmem:v11+s28+$0x0] =	vst.idx.msk vm8, v12  }
0x45: {  	v12 =	vld [tilespmem:s6+$0x1000];
	_ =	sdelay $0x4  }
.Ltmp2:
0x46: {  	s4 =	sadd.s32 $0x10, s4;
	[tilespmem:v11+s29+$0x0] =	vst.idx.msk vm8, v12;
	(pc) =	sbr.rel @p0 .LBB2_2-.Ltmp2, $2  }
0x47: {  	v11 =	vld [tilespmem:s4+$0x0];
	_ =	sdelay $0x2  }
0x48: {  	s5 =	spop (v2sf)  }
0x49: {  	_ = 	snop  }
0x4a: {  	vm8 =	vgt.f32 v11, $0.0e+00  }
0x4b: {  	v11 =	vsel vm8, $0x1, v4  }
0x4c: {  	(xrf0) =	vadd.scan.msk.s32 $0xffff, v11;
	_ =	sdelay $0x5  }
0x4d: {  	v11, _, _ =	vpop (xrf0)  }
0x4e: {  	(v2sf) =	vpush v11, $0xF;
	_ =	sdelay $0x7  }
0x4f: {  	s1 =	sadd.s32 s1, s5;
	v12 =	vsel vm8, $0xFFFFFFFF, v4  }
0x50: {  	v12 =	vadd.s32 s1, v12  }
0x51: {  	v11 =	vadd.s32 v11, v12;
	_ =	sdelay $0x3  }
0x52: {  	v60 =	vor.u32 s0, v1  }
0x53: {  	s5 =	sand.u32 $0xFF0, s0;
	[tilespmem:v11+s28+$0x0] =	vst.idx.msk vm8, v60;
	s2 =	spop (v2sf)  }
0x54: {  	v12 =	vld [tilespmem:s5+$0x1000];
	s0 =	sadd.s32 s1, s2  }
0x55: {  	v13 =	vadd.s32 s0, v1;
	_ =	sdelay $0x3  }
0x56: {  	[tilespmem:v11+s29+$0x0] =	vst.idx.msk vm8, v12  }
0x57: {  	v11 =	vimm.f32 $0.0e+00;
	[tilespmem:v13+s28+$0x0] =	vst.idx.msk $0xffff, v4  }
0x58: {  	[tilespmem:v13+s29+$0x0] =	vst.idx.msk $0xffff, v11  }
0x59: {  	v12 =	vld [tilespmem:$0x2180];
	_ =	sdelay $0x4  }
0x5a: {  	vm8 =	vgt.f32 v12, $0.0e+00  }
0x5b: {  	v12 =	vsel vm8, $0x1, v4  }
0x5c: {  	(xrf0) =	vadd.scan.msk.s32 $0xffff, v12;
	_ =	sdelay $0x5  }
0x5d: {  	v61 =	vsel vm8, $0xFFFFFFFF, v4;
	v62, _, _ =	vpop (xrf0)  }
0x5e: {  	v0 =	vld [tilespmem:$0x1FFC0];
	v12 =	vadd.s32 v61, v62;
	_ =	sdelay $0x3  }
0x5f: {  	s6 =	simm.s32 $0x4300  }
0x60: {  	[tilespmem:v12+s6+$0x0] =	vst.idx.msk vm8, v0  }
0x61: {  	v12 =	vld [tilespmem:$0x2190];
	_ =	sdelay $0x4  }
0x62: {  	vm8 =	vgt.f32 v12, $0.0e+00  }
0x63: {  	v12 =	vsel vm8, $0x1, v4  }
0x64: {  	(xrf0) =	vadd.scan.msk.s32 $0xffff, v12;
	_ =	sdelay $0x5  }
0x65: {  	(v2sf) =	vpush v62, $0xF;
	v12, _, _ =	vpop (xrf0)  }
0x66: {  	(v2sf) =	vpush v12, $0xF;
	_ =	sdelay $0xd  }
0x67: {  	s23 =	spop (v2sf)  }
0x68: {  	s24 =	spop (v2sf)  }
0x69: {  	s4 =	sadd.s32 s23, s24  }
0x6a: {  	s1 =	sadd.s32 $0x7, s4  }
0x6b: {  	v13 =	vbroadcast v62, $0xF;
	s26 =	sand.u32 $0x7, s1  }
0x6c: {  	v14 =	vsel vm8, $0xFFFFFFFF, v4;
	s30 =	sshra.s32 s1, $0x1F;
	p1 =	slt.s32 s1, $0x1;
	p0 =	sne.s32 s26, $0x0  }
0x6d: {  	v13 =	vadd.s32 v14, v13;
	s2 =	sshrl.u32 s30, $0x1D;
	p0 =	por !p1, !p0  }
0x6e: {  	v0 =	vld [tilespmem:$0x1FFD0];
	v12 =	vadd.s32 v12, v13;
	s1 =	sadd.s32 s2, s1;
	s2 =	simm.s32 $0x1;
	p0 =	por !p0, !p0  }
0x6f: {  	v63 =	vadd.s32 s4, v1;
	s1 =	sshra.s32 s1, $0x3;
	s2 =	simm.s32 @!p0 $0x0  }
0x70: {  	s23 =	ssub.s32 s1, s2  }
0x71: {  	p0 =	slt.s32 s23, $0x1  }
.Ltmp3:
0x72: {  	_ = 	snop;
	(pc) =	sbr.rel @p0 .LBB2_17-.Ltmp3, $4  }
0x73: {  	[tilespmem:v12+s6+$0x0] =	vst.idx.msk vm8, v0  }
0x74: {  	[tilespmem:v63+s6+$0x0] =	vst.idx.msk $0xffff, v41  }
0x75: {  	_ =	strace $0x90000048  }
0x76: {  	_ =	strace $0x80000049  }
0x77: {  	v11 =	vld.msk [tilespmem:$0x4300], $0xff;
	_ =	sdelay $0x2  }
0x78: {  	v0 =	vld [tilespmem:$0x1FFE0];
	_ =	sdelay $0x1  }
0x79: {  	v12 =	vshll.u32 v11, $0x5  }
0x7a: {  	v11 =	vand.u32 $0x7, v11;
	v12 =	vand.u32 $0xFFFFFF00, v12  }
0x7b: {  	v11 =	vor.u32 v11, v12  }
0x7c: {  	v11 =	vperm.xlane v11, v0;
	v0 =	vld [tilespmem:$0x1FFF0];
	_ =	sdelay $0x4  }
0x7d: {  	v11 =	vadd.s32 v0, v11;
	_ =	sdelay $0x3  }
0x7e: {  	s2 =	simm.s32 $0x0;
	s1 =	rddreg [dreg:$0x0]  }
0x7f: {  	[tilespmem:s31], [sflag:$0x1] =	stream.indirect_vreg.gather [hbm4b:s1+s2], $0x80, v11, vm0, $0x2000b8;
	[tilespmem:$0x14400] =	vst v63  }
0x80: {  	s5 =	simm.s32 $0x4B80  }
0x81: {  	[tilespmem:s5], [sflag:$0x1] =	stream.indirect_vreg.gather [hbm4b:s7+s2], $0x80, v11, vm0, $0x2000b8;
	[tilespmem:$0x14400] =	vst v63  }
0x82: {  	s6 =	simm.s32 $0x5380  }
0x83: {  	[tilespmem:s6], [sflag:$0x1] =	stream.indirect_vreg.gather [hbm4b:s8+s2], $0x80, v11, vm0, $0x2000b8;
	[tilespmem:$0x14400] =	vst v63  }
0x84: {  	s24 =	simm.s32 $0x5B80  }
0x85: {  	[tilespmem:s24], [sflag:$0x1] =	stream.indirect_vreg.gather [hbm4b:s9+s2], $0x80, v11, vm0, $0x2000b8;
	[tilespmem:$0x14400] =	vst v63  }
0x86: {  	s26 =	simm.s32 $0x6380  }
0x87: {  	[tilespmem:s26], [sflag:$0x1] =	stream.indirect_vreg.gather [hbm4b:s10+s2], $0x80, v11, vm0, $0x2000b8;
	[tilespmem:$0x14400] =	vst v63  }
0x88: {  	s5 =	simm.s32 $0x6B80  }
0x89: {  	[tilespmem:s5], [sflag:$0x1] =	stream.indirect_vreg.gather [hbm4b:s11+s2], $0x80, v11, vm0, $0x2000b8;
	[tilespmem:$0x14400] =	vst v63  }
0x8a: {  	s1 =	sadd.s32 $0xF, s0;
	s6 =	simm.s32 $0x7380  }
0x8b: {  	[tilespmem:s6], [sflag:$0x1] =	stream.indirect_vreg.gather [hbm4b:s12+s2], $0x80, v11, vm0, $0x2000b8;
	[tilespmem:$0x14400] =	vst v63  }
0x8c: {  	s24 =	simm.s32 $0x7B80;
	s26 =	sand.u32 $0xF, s1  }
0x8d: {  	[tilespmem:s24], [sflag:$0x1] =	stream.indirect_vreg.gather [hbm4b:s13+s2], $0x80, v11, vm0, $0x2000b8;
	[tilespmem:$0x14400] =	vst v63  }
0x8e: {  	p0 =	slt.s32 s1, $0x1;
	p1 =	sne.s32 s26, $0x0;
	s5 =	simm.s32 $0x8380  }
0x8f: {  	[tilespmem:s5], [sflag:$0x1] =	stream.indirect_vreg.gather [hbm4b:s14+s2], $0x80, v11, vm0, $0x2000b8;
	[tilespmem:$0x14400] =	vst v63  }
0x90: {  	p0 =	por !p0, !p1;
	s6 =	simm.s32 $0x8B80;
	s24 =	sshra.s32 s1, $0x1F  }
0x91: {  	[tilespmem:s6], [sflag:$0x1] =	stream.indirect_vreg.gather [hbm4b:s15+s2], $0x80, v11, vm0, $0x2000b8;
	[tilespmem:$0x14400] =	vst v63  }
0x92: {  	s26 =	simm.s32 $0x9380;
	p0 =	por !p0, !p0;
	s24 =	sshrl.u32 s24, $0x1C  }
0x93: {  	[tilespmem:s26], [sflag:$0x1] =	stream.indirect_vreg.gather [hbm4b:s16+s2], $0x80, v11, vm0, $0x2000b8;
	[tilespmem:$0x14400] =	vst v63  }
0x94: {  	s1 =	sadd.s32 s24, s1;
	s5 =	simm.s32 $0x1;
	s26 =	simm.s32 $0x9B80  }
0x95: {  	[tilespmem:s26], [sflag:$0x1] =	stream.indirect_vreg.gather [hbm4b:s17+s2], $0x80, v11, vm0, $0x2000b8;
	[tilespmem:$0x14400] =	vst v63  }
0x96: {  	s24 =	simm.s32 $0xA380;
	s1 =	sshra.s32 s1, $0x4;
	s5 =	simm.s32 @!p0 $0x0  }
0x97: {  	[tilespmem:s24], [sflag:$0x1] =	stream.indirect_vreg.gather [hbm4b:s18+s2], $0x80, v11, vm0, $0x2000b8;
	[tilespmem:$0x14400] =	vst v63  }
0x98: {  	s1 =	ssub.s32 s1, s5;
	s26 =	simm.s32 $0xAB80  }
0x99: {  	[tilespmem:s26], [sflag:$0x1] =	stream.indirect_vreg.gather [hbm4b:s19+s2], $0x80, v11, vm0, $0x2000b8;
	[tilespmem:$0x14400] =	vst v63  }
0x9a: {  	s30 =	sshll.u32 s1, $0x4;
	s24 =	simm.s32 $0xB380  }
0x9b: {  	[tilespmem:s24], [sflag:$0x1] =	stream.indirect_vreg.gather [hbm4b:s20+s2], $0x80, v11, vm0, $0x2000b8;
	[tilespmem:$0x14400] =	vst v63  }
0x9c: {  	s6 =	ssub.s32 s30, s0;
	s26 =	simm.s32 $0xBB80  }
0x9d: {  	[tilespmem:s26], [sflag:$0x1] =	stream.indirect_vreg.gather [hbm4b:s21+s2], $0x80, v11, vm0, $0x2000b8;
	v11 =	vmov s6;
	[tilespmem:$0x14400] =	vst v63  }
.Ltmp4:
0x9e: {  	v11 =	vcvt.s32.f32 v11;
	(pc) =	sbr.rel .LBB2_5-.Ltmp4, $4  }
0x9f: {  	s1 =	sshll.u32 s1, $0x6  }
0xa0: {  	v7 =	vmov s4;
	s24 =	sshra.s32 s1, $0x2;
	v12 =	vbroadcast v11, $0x0  }
0xa1: {  	[tilespmem:$0x1FFA0] =	vst v7;
	s0 =	sand.u32 $0xFFFFFFE0, s30;
	p0 =	slt.s32 s30, $0x20;
	s26 =	sand.u32 $0xFFFFFFE0, s24  }
0xa2: {  	p1 =	seq.s32 s0, s30;
	s1 =	sadd.s32 $0x3280, s26;
	s26 =	sadd.s32 $0x2200, s26;
	v11 =	vimm.f32 $0.0e+00;
	[tilespmem:$0x1FFB0] =	vst v12  }
.LBB2_16:
0xa3: {  	(xrf2) =	vadd.scan.msk.f32 $0xffff, v22  }
0xa4: {  	(xrf2) =	vadd.scan.msk.f32 $0xffff, v25  }
0xa5: {  	(xrf2) =	vadd.scan.msk.f32 $0xffff, v15  }
0xa6: {  	v0 =	vor.u32 v9, v14;
	(xrf2) =	vadd.scan.msk.f32 $0xffff, v18  }
0xa7: {  	(xrf2) =	vadd.scan.msk.f32 $0xffff, v28  }
0xa8: {  	(xrf2) =	vadd.scan.msk.f32 $0xffff, v24  }
0xa9: {  	(xrf2) =	vadd.scan.msk.f32 $0xffff, v19  }
0xaa: {  	(xrf2) =	vadd.scan.msk.f32 $0xffff, v21  }
0xab: {  	v0 =	vld.idx.msk [tilespmem:v0+s31+$0x0], $0xffff;
	(xrf2) =	vadd.scan.msk.f32 $0xffff, v16  }
0xac: {  	(xrf2) =	vadd.scan.msk.f32 $0xffff, v20  }
0xad: {  	v2, _, _ =	vpop (xrf2);
	(xrf2) =	vadd.scan.msk.f32 $0xffff, v26  }
0xae: {  	v3, _, _ =	vpop (xrf2);
	(xrf2) =	vadd.scan.msk.f32 $0xffff, v29  }
0xaf: {  	v5, _, _ =	vpop (xrf2);
	(xrf2) =	vadd.scan.msk.f32 $0xffff, v30  }
0xb0: {  	v0 =	vmul.f32 $1.442695020e+00, v0;
	v6, _, _ =	vpop (xrf2);
	(xrf2) =	vadd.scan.msk.f32 $0xffff, v23  }
0xb1: {  	v8, _, _ =	vpop (xrf2);
	(xrf2) =	vadd.scan.msk.f32 $0xffff, v27  }
0xb2: {  	v14, _, _ =	vpop (xrf2)  }
0xb3: {  	(erf) = vpow2.f32 v0;
	v15, _, _ =	vpop (xrf2)  }
0xb4: {  	v0, _, _ =	vpop (xrf2)  }
0xb5: {  	v2 =	vbroadcast v2, $0xF;
	v16, _, _ =	vpop (xrf2)  }
0xb6: {  	vm8 =	vmmov $0x1;
	v5 =	vbroadcast v5, $0xF;
	v58, _, _ =	vpop (xrf2)  }
0xb7: {  	v2 =	vnsel vm8, $0x0, v2;
	v8 =	vbroadcast v8, $0xF;
	v59, _, _ =	vpop (xrf2)  }
0xb8: {  	v2 =	vsel vm1, v2, v5;
	v5 =	vbroadcast v15, $0xF;
	v60, _, _ =	vpop (xrf2)  }
0xb9: {  	v62 =	vld [tilespmem:s5+$0x4300];
	v2 =	vsel vm2, v2, v8;
	v8 =	vbroadcast v16, $0xF;
	v15, _, _ =	vpop (xrf2)  }
0xba: {  	v2 =	vsel vm3, v2, v5;
	v5 =	vbroadcast v59, $0xF;
	v61, _, _ =	vpop (xrf2)  }
0xbb: {  	v2 =	vsel vm4, v2, v8;
	v8 =	vbroadcast v15, $0xF;
	v15, _, _ =	vpop (xrf2)  }
0xbc: {  	v63 =	vpop (erf);
	v2 =	vsel vm5, v2, v5;
	v5 =	vbroadcast v15, $0xF  }
0xbd: {  	(xrf2) =	vadd.scan.msk.f32 $0xffff, v17;
	v2 =	vsel vm6, v2, v8;
	v8 =	vmul.f32 v63, v12  }
0xbe: {  	v2 =	vsel vm7, v2, v5;
	v5 =	vsub.s32 v62, v41  }
0xbf: {  	v2 =	vsub.f32 v2, v8  }
0xc0: {  	v3 =	vbroadcast v3, $0xF  }
0xc1: {  	v6 =	vbroadcast v6, $0xF;
	v2 =	vadd.f32 v2, v42  }
0xc2: {  	v3 =	vnsel vm8, $0x0, v3  }
0xc3: {  	v8 =	vbroadcast v14, $0xF;
	(erf) = vrcp.f32 v2;
	v2 =	vsel vm1, v3, v6;
	v3 =	vld.idx.msk [tilespmem:v5+s25+$0x0], $0xffff  }
0xc4: {  	v0 =	vbroadcast v0, $0xF  }
0xc5: {  	v5 =	vbroadcast v58, $0xF;
	v2 =	vsel vm2, v2, v8  }
0xc6: {  	v0 =	vsel vm3, v2, v0;
	v2 =	vbroadcast v60, $0xF  }
0xc7: {  	v6, _, _ =	vpop (xrf2);
	v0 =	vsel vm4, v0, v5;
	v5 =	vbroadcast v61, $0xF  }
0xc8: {  	v0 =	vsel vm5, v0, v2;
	v2 =	vbroadcast v6, $0xF;
	v3 =	vmul.f32 v3, v10  }
0xc9: {  	v0 =	vsel vm6, v0, v5  }
0xca: {  	v0 =	vsel vm7, v0, v2  }
0xcb: {  	p2 =	sne.s32 s4, s23;
	v0 =	vadd.f32 v3, v0  }
.Ltmp5:
0xcc: {  	v2 =	vadd.s32 s5, v1;
	v3 =	vpop (erf);
	(pc) =	sbr.rel @!p2 .LBB2_17-.Ltmp5, $4  }
0xcd: {  	vm8 =	vlt.s32 v2, v7;
	v0 =	vmul.f32 v3, v0  }
0xce: {  	vm8 =	vmand vm8, vm9  }
0xcf: {  	v0 =	vnsel vm8, $0x0, v0  }
0xd0: {  	s2 =	smov.u32 s4;
	v11 =	vadd.f32 v0, v11  }
.LBB2_5:
0xd1: {  	s4 =	sadd.s32 $0x1, s2  }
0xd2: {  	p2 =	sge.s32 s4, s23  }
.Ltmp6:
0xd3: {  	_ = 	snop;
	(pc) =	sbr.rel @p2 .LBB2_9-.Ltmp6, $1  }
0xd4: {  	_ =	sdelay $0x3  }
0xd5: {  	s5 =	sshll.u32 s4, $0x5  }
0xd6: {  	s5 =	sshra.s32 s5, $0x2  }
0xd7: {  	v14 =	vld.msk [tilespmem:s5+$0x4300], $0xff;
	_ =	sdelay $0x2  }
0xd8: {  	v0 =	vld [tilespmem:$0x1FFE0];
	_ =	sdelay $0x1  }
0xd9: {  	v15 =	vshll.u32 v14, $0x5  }
0xda: {  	v14 =	vand.u32 $0x7, v14;
	v15 =	vand.u32 $0xFFFFFF00, v15  }
0xdb: {  	s24 =	sand.u32 $0x1, s4;
	v14 =	vor.u32 v14, v15  }
0xdc: {  	p2 =	seq.s32 s24, $0x1;
	v14 =	vperm.xlane v14, v0;
	v0 =	vld [tilespmem:$0x1FFF0]  }
.Ltmp7:
0xdd: {  	_ = 	snop;
	(pc) =	sbr.rel @!p2 .LBB2_7-.Ltmp7, $2  }
0xde: {  	_ =	sdelay $0x2  }
0xdf: {  	v14 =	vadd.s32 v0, v14  }
0xe0: {  	_ =	sdelay $0x2  }
0xe1: {  	s5 =	rddreg [dreg:$0x0];
	s6 =	simm.s32 $0xC380  }
0xe2: {  	[tilespmem:s6], [sflag:$0x2] =	stream.indirect_vreg.gather [hbm4b:s5+s3], $0x80, v14, vm0, $0x2000b8;
	[tilespmem:$0x14400] =	vst v63  }
0xe3: {  	s24 =	simm.s32 $0xCB80  }
0xe4: {  	[tilespmem:s24], [sflag:$0x2] =	stream.indirect_vreg.gather [hbm4b:s7+s3], $0x80, v14, vm0, $0x2000b8;
	[tilespmem:$0x14400] =	vst v63  }
0xe5: {  	s6 =	simm.s32 $0xD380  }
0xe6: {  	[tilespmem:s6], [sflag:$0x2] =	stream.indirect_vreg.gather [hbm4b:s8+s3], $0x80, v14, vm0, $0x2000b8;
	[tilespmem:$0x14400] =	vst v63  }
0xe7: {  	s24 =	simm.s32 $0xDB80  }
0xe8: {  	[tilespmem:s24], [sflag:$0x2] =	stream.indirect_vreg.gather [hbm4b:s9+s3], $0x80, v14, vm0, $0x2000b8;
	[tilespmem:$0x14400] =	vst v63  }
0xe9: {  	s6 =	simm.s32 $0xE380  }
0xea: {  	[tilespmem:s6], [sflag:$0x2] =	stream.indirect_vreg.gather [hbm4b:s10+s3], $0x80, v14, vm0, $0x2000b8;
	[tilespmem:$0x14400] =	vst v63  }
0xeb: {  	s24 =	simm.s32 $0xEB80  }
0xec: {  	[tilespmem:s24], [sflag:$0x2] =	stream.indirect_vreg.gather [hbm4b:s11+s3], $0x80, v14, vm0, $0x2000b8;
	[tilespmem:$0x14400] =	vst v63  }
0xed: {  	s6 =	simm.s32 $0xF380  }
0xee: {  	[tilespmem:s6], [sflag:$0x2] =	stream.indirect_vreg.gather [hbm4b:s12+s3], $0x80, v14, vm0, $0x2000b8;
	[tilespmem:$0x14400] =	vst v63  }
0xef: {  	s24 =	simm.s32 $0xFB80  }
0xf0: {  	[tilespmem:s24], [sflag:$0x2] =	stream.indirect_vreg.gather [hbm4b:s13+s3], $0x80, v14, vm0, $0x2000b8;
	[tilespmem:$0x14400] =	vst v63  }
0xf1: {  	s6 =	simm.s32 $0x10380  }
0xf2: {  	[tilespmem:s6], [sflag:$0x2] =	stream.indirect_vreg.gather [hbm4b:s14+s3], $0x80, v14, vm0, $0x2000b8;
	[tilespmem:$0x14400] =	vst v63  }
0xf3: {  	s24 =	simm.s32 $0x10B80  }
0xf4: {  	[tilespmem:s24], [sflag:$0x2] =	stream.indirect_vreg.gather [hbm4b:s15+s3], $0x80, v14, vm0, $0x2000b8;
	[tilespmem:$0x14400] =	vst v63  }
0xf5: {  	s6 =	simm.s32 $0x11380  }
0xf6: {  	[tilespmem:s6], [sflag:$0x2] =	stream.indirect_vreg.gather [hbm4b:s16+s3], $0x80, v14, vm0, $0x2000b8;
	[tilespmem:$0x14400] =	vst v63  }
0xf7: {  	s24 =	simm.s32 $0x11B80  }
0xf8: {  	[tilespmem:s24], [sflag:$0x2] =	stream.indirect_vreg.gather [hbm4b:s17+s3], $0x80, v14, vm0, $0x2000b8;
	[tilespmem:$0x14400] =	vst v63  }
0xf9: {  	s6 =	simm.s32 $0x12380  }
0xfa: {  	[tilespmem:s6], [sflag:$0x2] =	stream.indirect_vreg.gather [hbm4b:s18+s3], $0x80, v14, vm0, $0x2000b8;
	[tilespmem:$0x14400] =	vst v63  }
0xfb: {  	s24 =	simm.s32 $0x12B80  }
0xfc: {  	[tilespmem:s24], [sflag:$0x2] =	stream.indirect_vreg.gather [hbm4b:s19+s3], $0x80, v14, vm0, $0x2000b8;
	[tilespmem:$0x14400] =	vst v63  }
.Ltmp8:
0xfd: {  	_ = 	snop;
	(pc) =	sbr.rel .LBB2_9-.Ltmp8, $4  }
0xfe: {  	s6 =	simm.s32 $0x13380  }
0xff: {  	[tilespmem:s6], [sflag:$0x2] =	stream.indirect_vreg.gather [hbm4b:s20+s3], $0x80, v14, vm0, $0x2000b8;
	[tilespmem:$0x14400] =	vst v63  }
0x100: {  	s24 =	simm.s32 $0x13B80  }
0x101: {  	[tilespmem:s24], [sflag:$0x2] =	stream.indirect_vreg.gather [hbm4b:s21+s3], $0x80, v14, vm0, $0x2000b8;
	[tilespmem:$0x14400] =	vst v63  }
.LBB2_7:
0x102: {  	_ =	sdelay $0x2  }
0x103: {  	s5 =	rddreg [dreg:$0x0]  }
0x104: {  	[tilespmem:s31], [sflag:$0x1] =	stream.indirect_vreg.gather [hbm4b:s5+s3], $0x80, v14, vm0, $0x2000b8;
	[tilespmem:$0x14400] =	vst v63  }
0x105: {  	s24 =	simm.s32 $0x4B80  }
0x106: {  	[tilespmem:s24], [sflag:$0x1] =	stream.indirect_vreg.gather [hbm4b:s7+s3], $0x80, v14, vm0, $0x2000b8;
	[tilespmem:$0x14400] =	vst v63  }
0x107: {  	s6 =	simm.s32 $0x5380  }
0x108: {  	[tilespmem:s6], [sflag:$0x1] =	stream.indirect_vreg.gather [hbm4b:s8+s3], $0x80, v14, vm0, $0x2000b8;
	[tilespmem:$0x14400] =	vst v63  }
0x109: {  	s24 =	simm.s32 $0x5B80  }
0x10a: {  	[tilespmem:s24], [sflag:$0x1] =	stream.indirect_vreg.gather [hbm4b:s9+s3], $0x80, v14, vm0, $0x2000b8;
	[tilespmem:$0x14400] =	vst v63  }
0x10b: {  	s6 =	simm.s32 $0x6380  }
0x10c: {  	[tilespmem:s6], [sflag:$0x1] =	stream.indirect_vreg.gather [hbm4b:s10+s3], $0x80, v14, vm0, $0x2000b8;
	[tilespmem:$0x14400] =	vst v63  }
0x10d: {  	s24 =	simm.s32 $0x6B80  }
0x10e: {  	[tilespmem:s24], [sflag:$0x1] =	stream.indirect_vreg.gather [hbm4b:s11+s3], $0x80, v14, vm0, $0x2000b8;
	[tilespmem:$0x14400] =	vst v63  }
0x10f: {  	s6 =	simm.s32 $0x7380  }
0x110: {  	[tilespmem:s6], [sflag:$0x1] =	stream.indirect_vreg.gather [hbm4b:s12+s3], $0x80, v14, vm0, $0x2000b8;
	[tilespmem:$0x14400] =	vst v63  }
0x111: {  	s24 =	simm.s32 $0x7B80  }
0x112: {  	[tilespmem:s24], [sflag:$0x1] =	stream.indirect_vreg.gather [hbm4b:s13+s3], $0x80, v14, vm0, $0x2000b8;
	[tilespmem:$0x14400] =	vst v63  }
0x113: {  	s6 =	simm.s32 $0x8380  }
0x114: {  	[tilespmem:s6], [sflag:$0x1] =	stream.indirect_vreg.gather [hbm4b:s14+s3], $0x80, v14, vm0, $0x2000b8;
	[tilespmem:$0x14400] =	vst v63  }
0x115: {  	s24 =	simm.s32 $0x8B80  }
0x116: {  	[tilespmem:s24], [sflag:$0x1] =	stream.indirect_vreg.gather [hbm4b:s15+s3], $0x80, v14, vm0, $0x2000b8;
	[tilespmem:$0x14400] =	vst v63  }
0x117: {  	s6 =	simm.s32 $0x9380  }
0x118: {  	[tilespmem:s6], [sflag:$0x1] =	stream.indirect_vreg.gather [hbm4b:s16+s3], $0x80, v14, vm0, $0x2000b8;
	[tilespmem:$0x14400] =	vst v63  }
0x119: {  	s24 =	simm.s32 $0x9B80  }
0x11a: {  	[tilespmem:s24], [sflag:$0x1] =	stream.indirect_vreg.gather [hbm4b:s17+s3], $0x80, v14, vm0, $0x2000b8;
	[tilespmem:$0x14400] =	vst v63  }
0x11b: {  	s6 =	simm.s32 $0xA380  }
0x11c: {  	[tilespmem:s6], [sflag:$0x1] =	stream.indirect_vreg.gather [hbm4b:s18+s3], $0x80, v14, vm0, $0x2000b8;
	[tilespmem:$0x14400] =	vst v63  }
0x11d: {  	s24 =	simm.s32 $0xAB80  }
0x11e: {  	[tilespmem:s24], [sflag:$0x1] =	stream.indirect_vreg.gather [hbm4b:s19+s3], $0x80, v14, vm0, $0x2000b8;
	[tilespmem:$0x14400] =	vst v63  }
0x11f: {  	s6 =	simm.s32 $0xB380  }
0x120: {  	[tilespmem:s6], [sflag:$0x1] =	stream.indirect_vreg.gather [hbm4b:s20+s3], $0x80, v14, vm0, $0x2000b8;
	[tilespmem:$0x14400] =	vst v63  }
0x121: {  	s24 =	simm.s32 $0xBB80  }
0x122: {  	[tilespmem:s24], [sflag:$0x1] =	stream.indirect_vreg.gather [hbm4b:s21+s3], $0x80, v14, vm0, $0x2000b8;
	[tilespmem:$0x14400] =	vst v63  }
.LBB2_9:
0x123: {  	s5 =	sshll.u32 s2, $0x3;
	s24 =	sand.u32 $0x1, s2;
	v22 =	vimm.f32 $0.0e+00;
	v25 =	vimm.f32 $0.0e+00;
	v15 =	vimm.f32 $0.0e+00  }
.Ltmp9:
0x124: {  	s2 =	simm.s32 $0x2;
	v18 =	vimm.f32 $0.0e+00;
	v28 =	vimm.f32 $0.0e+00;
	v24 =	vimm.f32 $0.0e+00;
	p2 =	seq.s32 s24, $0x1;
	(pc) =	sbr.rel @p0 .LBB2_13-.Ltmp9, $4  }
0x125: {  	v19 =	vimm.f32 $0.0e+00;
	v21 =	vimm.f32 $0.0e+00;
	v16 =	vimm.f32 $0.0e+00;
	s2 =	simm.s32 @!p2 $0x1  }
0x126: {  	v20 =	vimm.f32 $0.0e+00;
	v26 =	vimm.f32 $0.0e+00;
	v29 =	vimm.f32 $0.0e+00;
	s6 =	sand.u32 $0x8, s5;
	_ =	swait.ge [sflag:s2], $0x8000  }
0x127: {  	v30 =	vimm.f32 $0.0e+00;
	v23 =	vimm.f32 $0.0e+00;
	v14 =	vmov s6;
	[sflag:s2] =	ssyncset.done $0x0  }
0x128: {  	v27 =	vimm.f32 $0.0e+00;
	v17 =	vimm.f32 $0.0e+00;
	v14 =	vshrl.u32 v14, $0x3;
	[sflag:s2] =	ssyncadd.s32 $0xFFFF8000  }
0x129: {  	v21 =	vshll.u32 v14, v43  }
0x12a: {  	v16 =	vor.u32 $0x80, v21  }
0x12b: {  	v15 =	vbroadcast v21, $0x0;
	v17 =	vor.u32 $0x100, v21;
	v18 =	vor.u32 $0x180, v21  }
0x12c: {  	s2 =	simm.s32 $0x2210;
	v19 =	vor.u32 $0x200, v21;
	v22 =	vor.u32 $0x300, v21;
	v23 =	vor.u32 $0x380, v21  }
0x12d: {  	v20 =	vor.u32 $0x280, v21;
	v21 =	vbroadcast v22, $0x0;
	v22 =	vbroadcast v23, $0x0;
	v23 =	vld [tilespmem:s2+$0xFFFFFFF0];
	_ =	sdelay $0x4  }
0x12e: {  	v16 =	vbroadcast v16, $0x0;
	v24 =	vshll.u32 v23, $0x3  }
0x12f: {  	v25 =	vld [tilespmem:s2+$0x0];
	v18 =	vbroadcast v18, $0x0;
	v26 =	vand.u32 $0xFFFFFC00, v24  }
0x130: {  	v23 =	vand.u32 $0x7F, v23;
	v24 =	vadd.s32 v16, v26  }
0x131: {  	v27 =	vadd.s32 v18, v26;
	v24 =	vor.u32 v23, v24  }
0x132: {  	v27 =	vor.u32 v23, v27  }
0x133: {  	v28 =	vadd.s32 v21, v26  }
0x134: {  	v29 =	vshll.u32 v25, $0x3;
	v28 =	vor.u32 v23, v28  }
0x135: {  	v20 =	vbroadcast v20, $0x0;
	v29 =	vand.u32 $0xFFFFFC00, v29;
	v30 =	vadd.s32 v22, v26  }
0x136: {  	v25 =	vand.u32 $0x7F, v25;
	v31 =	vadd.s32 v18, v29;
	v30 =	vor.u32 v23, v30;
	v24 =	vld.idx.msk [tilespmem:v24+s31+$0x0], $0xffff  }
0x137: {  	v19 =	vbroadcast v19, $0x0;
	v32 =	vadd.s32 v16, v29;
	v31 =	vor.u32 v25, v31;
	v27 =	vld.idx.msk [tilespmem:v27+s31+$0x0], $0xffff  }
0x138: {  	v35 =	vadd.s32 v20, v29;
	v32 =	vor.u32 v25, v32  }
0x139: {  	v33 =	vadd.s32 v19, v26;
	v35 =	vor.u32 v25, v35;
	v28 =	vld.idx.msk [tilespmem:v28+s31+$0x0], $0xffff  }
0x13a: {  	v17 =	vbroadcast v17, $0x0;
	v36 =	vadd.s32 v21, v29;
	v33 =	vor.u32 v23, v33  }
0x13b: {  	v37 =	vadd.s32 v19, v29;
	v36 =	vor.u32 v25, v36;
	v30 =	vld.idx.msk [tilespmem:v30+s31+$0x0], $0xffff;
	v24 =	vmul.f32 $1.442695020e+00, v24  }
0x13c: {  	v37 =	vor.u32 v25, v37;
	v38 =	vadd.s32 v20, v26;
	v31 =	vld.idx.msk [tilespmem:v31+s31+$0x0], $0xffff;
	v27 =	vmul.f32 $1.442695020e+00, v27  }
0x13d: {  	v38 =	vor.u32 v23, v38;
	v32 =	vld.idx.msk [tilespmem:v32+s31+$0x0], $0xffff;
	(erf) = vpow2.f32 v24  }
0x13e: {  	v24 =	vadd.s32 v17, v26;
	(erf) = vpow2.f32 v27;
	v27 =	vmul.f32 $1.442695020e+00, v28;
	v28 =	vld.idx.msk [tilespmem:v35+s31+$0x0], $0xffff  }
0x13f: {  	v34 =	vimm.f32 $0.0e+00;
	v44 =	vimm.f32 $0.0e+00;
	v33 =	vld.idx.msk [tilespmem:v33+s31+$0x0], $0xffff;
	v61 =	vor.u32 v23, v24  }
0x140: {  	v36 =	vld.idx.msk [tilespmem:v36+s31+$0x0], $0xffff;
	v24 =	vadd.s32 v15, v29;
	(erf) = vpow2.f32 v27;
	v27 =	vmul.f32 $1.442695020e+00, v30  }
0x141: {  	v37 =	vld.idx.msk [tilespmem:v37+s31+$0x0], $0xffff;
	v39 =	vmul.f32 $1.442695020e+00, v31;
	v26 =	vadd.s32 v15, v26;
	v40 =	vor.u32 v25, v24  }
0x142: {  	s6 =	simm.s32 $0x3290;
	v31 =	vmul.f32 $1.442695020e+00, v32;
	v26 =	vor.u32 v23, v26;
	v30 =	vld.idx.msk [tilespmem:v38+s31+$0x0], $0xffff;
	(erf) = vpow2.f32 v27  }
0x143: {  	v24 =	vld [tilespmem:s6+$0xFFFFFFF0];
	v27 =	vadd.s32 v22, v29;
	v35 =	vmul.f32 $1.442695020e+00, v28;
	v28 =	vadd.s32 v17, v29  }
0x144: {  	v23 =	vmul.f32 $1.442695020e+00, v33;
	v45 =	vor.u32 v25, v27;
	v25 =	vor.u32 v25, v28  }
0x145: {  	v7 =	vmovc v42;
	v13 =	vmovc v43;
	v42 =	vimm.f32 $0.0e+00;
	v43 =	vmul.f32 $1.442695020e+00, v36;
	v32 =	vimm.f32 $0.0e+00;
	v62 =	vld.idx.msk [tilespmem:v61+s31+$0x0], $0xffff  }
0x146: {  	v33 =	vimm.f32 $0.0e+00;
	(erf) = vpow2.f32 v31;
	v31 =	vmul.f32 $1.442695020e+00, v37;
	v29 =	vld.idx.msk [tilespmem:v40+s31+$0x0], $0xffff  }
0x147: {  	v47 =	vld.idx.msk [tilespmem:v26+s31+$0x0], $0xffff;
	v26 =	vimm.f32 $0.0e+00;
	v28 =	vmul.f32 $1.442695020e+00, v30;
	v63 =	vpop (erf);
	(erf) = vpow2.f32 v23  }
0x148: {  	p2 =	sgt.s32 s0, $0x20;
	v27 =	vmul.f32 v63, v24;
	v23 =	vpop (erf);
	v38 =	vadd.f32 v63, v34;
	(erf) = vpow2.f32 v31  }
.Ltmp10:
0x149: {  	v12 =	vmovc v10;
	v31 =	vimm.f32 $0.0e+00;
	v30 =	vmul.f32 v23, v24;
	(erf) = vpow2.f32 v28;
	v46 =	vld.idx.msk [tilespmem:v25+s31+$0x0], $0xffff;
	(pc) =	sbr.rel @!p2 .LBB2_12-.Ltmp10, $4  }
0x14a: {  	v10 =	vmovc v9;
	v9 =	vmovc v41;
	v40 =	vadd.f32 v23, v34;
	v28 =	vimm.f32 $0.0e+00;
	v41 =	vadd.f32 v27, v34  }
0x14b: {  	v49 =	vld.idx.msk [tilespmem:v45+s31+$0x0], $0xffff;
	v27 =	vmul.f32 $1.442695020e+00, v62;
	v37 =	vpop (erf);
	v50 =	vmul.f32 $1.442695020e+00, v29;
	v29 =	vimm.f32 $0.0e+00  }
0x14c: {  	v25 =	vimm.f32 $0.0e+00;
	v36 =	vadd.f32 v30, v34;
	v48 =	vmul.f32 v37, v24  }
0x14d: {  	s24 =	simm.s32 $0x2230;
	s2 =	simm.s32 $0x20;
	v23 =	vld [tilespmem:s6+$0x0];
	v30 =	vimm.f32 $0.0e+00;
	(erf) = vpow2.f32 v27;
	v27 =	vimm.f32 $0.0e+00;
	v45 =	vpop (erf)  }
.LBB2_11:
0x14e: {  	v51 =	vld [tilespmem:s24+$0xFFFFFFF0];
	s2 =	sadd.s32 $0x20, s2;
	v34 =	vadd.f32 v48, v34;
	v46 =	vmul.f32 $1.442695020e+00, v46;
	s6 =	sadd.s32 $0x20, s6;
	(erf) = vpow2.f32 v50  }
0x14f: {  	v47 =	vmul.f32 $1.442695020e+00, v47;
	v44 =	vadd.f32 v37, v44;
	v42 =	vadd.f32 v45, v42;
	v48 =	vld [tilespmem:s24+$0x0];
	p2 =	slt.s32 s2, s0;
	v50 =	vpop (erf)  }
0x150: {  	v49 =	vmul.f32 $1.442695020e+00, v49;
	v37 =	vld [tilespmem:s6+$0x0];
	(erf) = vpow2.f32 v39  }
0x151: {  	v39 =	vmul.f32 v45, v24;
	v38 =	vadd.f32 v50, v38;
	v45 =	vpop (erf);
	(erf) = vpow2.f32 v43  }
0x152: {  	v31 =	vadd.f32 v45, v31;
	v43 =	vmul.f32 v45, v24;
	v45 =	vpop (erf);
	(erf) = vpow2.f32 v49  }
0x153: {  	v49 =	vshll.u32 v51, $0x3;
	v52 =	vmul.f32 v45, v23;
	(erf) = vpow2.f32 v46  }
0x154: {  	v46 =	vand.u32 $0x7F, v51;
	v49 =	vand.u32 $0xFFFFFC00, v49;
	v31 =	vadd.f32 v45, v31;
	v45 =	vpop (erf)  }
0x155: {  	v0 =	vmul.f32 v50, v23;
	v51 =	vadd.s32 v15, v49;
	v53 =	vadd.s32 v16, v49  }
0x156: {  	v54 =	vadd.s32 v18, v49;
	v55 =	vadd.s32 v19, v49;
	(erf) = vpow2.f32 v47;
	v47 =	vpop (erf)  }
0x157: {  	v41 =	vadd.f32 v0, v41;
	v56 =	vadd.s32 v21, v49;
	v2 =	vadd.s32 v22, v49;
	v50 =	vpop (erf)  }
0x158: {  	v32 =	vadd.f32 v43, v32;
	v53 =	vor.u32 v46, v53;
	v56 =	vor.u32 v46, v56  }
0x159: {  	v43 =	vor.u32 v46, v54;
	v54 =	vor.u32 v46, v2;
	v57 =	vpop (erf);
	(erf) = vpow2.f32 v35  }
0x15a: {  	v58 =	vshll.u32 v48, $0x3;
	v35 =	vadd.s32 v20, v49;
	v40 =	vadd.f32 v57, v40;
	v59 =	vpop (erf)  }
0x15b: {  	v58 =	vand.u32 $0xFFFFFC00, v58;
	v49 =	vadd.s32 v17, v49;
	v57 =	vmul.f32 v57, v23;
	v60 =	vpop (erf)  }
0x15c: {  	v48 =	vand.u32 $0x7F, v48;
	v61 =	vadd.s32 v18, v58;
	v62 =	vadd.s32 v20, v58;
	v63 =	vpop (erf)  }
0x15d: {  	v32 =	vadd.f32 v52, v32;
	v61 =	vor.u32 v48, v61;
	v62 =	vor.u32 v48, v62;
	v53 =	vld.idx.msk [tilespmem:v53+s31+$0x0], $0xffff  }
0x15e: {  	v52 =	vadd.s32 v16, v58;
	v2 =	vadd.s32 v21, v58;
	v36 =	vadd.f32 v57, v36  }
0x15f: {  	v51 =	vor.u32 v46, v51;
	v52 =	vor.u32 v48, v52;
	v2 =	vor.u32 v48, v2;
	v43 =	vld.idx.msk [tilespmem:v43+s31+$0x0], $0xffff;
	v57 =	vpop (erf)  }
0x160: {  	v3 =	vadd.s32 v19, v58;
	v5 =	vmul.f32 v47, v24;
	v35 =	vor.u32 v46, v35  }
0x161: {  	v55 =	vor.u32 v46, v55;
	v3 =	vor.u32 v48, v3;
	v6 =	vmul.f32 v63, v23;
	v56 =	vld.idx.msk [tilespmem:v56+s31+$0x0], $0xffff  }
0x162: {  	v28 =	vadd.f32 v45, v28;
	v46 =	vor.u32 v46, v49;
	v49 =	vld.idx.msk [tilespmem:v54+s31+$0x0], $0xffff;
	v54 =	vadd.s32 v15, v58;
	v0 =	vpop (erf)  }
0x163: {  	v8 =	vmul.f32 v50, v23;
	v27 =	vadd.f32 v57, v27;
	v54 =	vor.u32 v48, v54;
	v61 =	vld.idx.msk [tilespmem:v61+s31+$0x0], $0xffff  }
0x164: {  	v26 =	vadd.f32 v47, v26;
	v53 =	vmul.f32 $1.442695020e+00, v53;
	v28 =	vadd.f32 v0, v28;
	v52 =	vld.idx.msk [tilespmem:v52+s31+$0x0], $0xffff  }
0x165: {  	v47 =	vmul.f32 v57, v24;
	v27 =	vadd.f32 v50, v27;
	v43 =	vmul.f32 $1.442695020e+00, v43  }
0x166: {  	v5 =	vadd.f32 v5, v30;
	v26 =	vadd.f32 v63, v26;
	v50 =	vld.idx.msk [tilespmem:v55+s31+$0x0], $0xffff;
	(erf) = vpow2.f32 v53  }
0x167: {  	v42 =	vadd.f32 v60, v42;
	v30 =	vmul.f32 $1.442695020e+00, v56;
	v55 =	vadd.s32 v22, v58;
	v53 =	vld.idx.msk [tilespmem:v62+s31+$0x0], $0xffff  }
0x168: {  	v33 =	vadd.f32 v39, v33;
	v49 =	vmul.f32 $1.442695020e+00, v49;
	v2 =	vld.idx.msk [tilespmem:v2+s31+$0x0], $0xffff;
	(erf) = vpow2.f32 v43  }
0x169: {  	v44 =	vadd.f32 v59, v44;
	v43 =	vadd.s32 v17, v58;
	v39 =	vmul.f32 $1.442695020e+00, v61;
	v3 =	vld.idx.msk [tilespmem:v3+s31+$0x0], $0xffff  }
0x16a: {  	v0 =	vmul.f32 v0, v23;
	v55 =	vor.u32 v48, v55;
	v56 =	vld [tilespmem:s6+$0xFFFFFFF0];
	(erf) = vpow2.f32 v30  }
0x16b: {  	v52 =	vmul.f32 $1.442695020e+00, v52;
	v48 =	vor.u32 v48, v43;
	v43 =	vmul.f32 v59, v23;
	v57 =	vld.idx.msk [tilespmem:v35+s31+$0x0], $0xffff  }
0x16c: {  	v30 =	vadd.f32 v6, v5;
	(erf) = vpow2.f32 v49;
	v49 =	vmul.f32 v45, v24  }
0x16d: {  	v6 =	vmul.f32 $1.442695020e+00, v50;
	v34 =	vadd.f32 v43, v34;
	v35 =	vmul.f32 $1.442695020e+00, v53;
	v5 =	vld.idx.msk [tilespmem:v46+s31+$0x0], $0xffff  }
0x16e: {  	v43 =	vmul.f32 $1.442695020e+00, v2;
	v45 =	vld.idx.msk [tilespmem:v54+s31+$0x0], $0xffff;
	(erf) = vpow2.f32 v52;
	v2 =	vadd.f32 v49, v29  }
0x16f: {  	v25 =	vadd.f32 v47, v25;
	v3 =	vmul.f32 $1.442695020e+00, v3;
	v29 =	vmul.f32 v60, v23;
	v24 =	vpop (erf)  }
0x170: {  	v23 =	vmovc v37;
	v38 =	vadd.f32 v24, v38;
	v24 =	vmul.f32 v24, v56;
	v46 =	vld.idx.msk [tilespmem:v48+s31+$0x0], $0xffff;
	(erf) = vpow2.f32 v6  }
.Ltmp11:
0x171: {  	v25 =	vadd.f32 v8, v25;
	v6 =	vmul.f32 $1.442695020e+00, v57;
	v47 =	vld.idx.msk [tilespmem:v51+s31+$0x0], $0xffff;
	v51 =	vpop (erf);
	(erf) = vpow2.f32 v3;
	(pc) =	sbr.rel @p2 .LBB2_11-.Ltmp11, $4  }
0x172: {  	v33 =	vadd.f32 v29, v33;
	v41 =	vadd.f32 v24, v41;
	v3 =	vmul.f32 v51, v56;
	v49 =	vld.idx.msk [tilespmem:v55+s31+$0x0], $0xffff  }
0x173: {  	v29 =	vadd.f32 v0, v2;
	v5 =	vmul.f32 $1.442695020e+00, v5;
	(erf) = vpow2.f32 v6;
	v37 =	vpop (erf)  }
0x174: {  	v50 =	vmul.f32 $1.442695020e+00, v45;
	v36 =	vadd.f32 v3, v36;
	v48 =	vmul.f32 v37, v56;
	v24 =	vmovc v56  }
0x175: {  	s24 =	sadd.s32 $0x20, s24;
	v40 =	vadd.f32 v51, v40;
	(erf) = vpow2.f32 v5;
	v45 =	vpop (erf)  }
.LBB2_12:
0x176: {  	_ =	sdelay $0x1  }
0x177: {  	(erf) = vpow2.f32 v50;
	v0 =	vmul.f32 $1.442695020e+00, v49  }
0x178: {  	v2 =	vmul.f32 $1.442695020e+00, v46;
	(erf) = vpow2.f32 v39  }
0x179: {  	v3 =	vmul.f32 $1.442695020e+00, v47;
	(erf) = vpow2.f32 v43  }
0x17a: {  	(erf) = vpow2.f32 v0  }
0x17b: {  	v0 =	vpop (erf);
	(erf) = vpow2.f32 v2  }
0x17c: {  	v2 =	vpop (erf);
	(erf) = vpow2.f32 v3  }
0x17d: {  	v3 =	vpop (erf)  }
0x17e: {  	(erf) = vpow2.f32 v35;
	v5 =	vpop (erf)  }
0x17f: {  	v8 =	vadd.f32 v48, v34;
	v16 =	vadd.f32 v2, v31;
	v2 =	vmul.f32 v2, v24;
	v6 =	vpop (erf)  }
0x180: {  	v57 =	vadd.f32 v37, v44;
	v15 =	vadd.f32 v0, v38;
	v0 =	vmul.f32 v0, v23;
	v17 =	vpop (erf)  }
0x181: {  	v31 =	vadd.f32 v45, v42;
	v2 =	vadd.f32 v2, v32;
	v20 =	vpop (erf)  }
0x182: {  	v21 =	vmul.f32 v3, v23;
	v18 =	vadd.f32 v0, v41;
	v58 =	vpop (erf);
	v0 =	vmul.f32 v20, v23  }
0x183: {  	v16 =	vadd.f32 v3, v16;
	v19 =	vadd.f32 v20, v40;
	v3 =	vpop (erf)  }
0x184: {  	v20 =	vadd.f32 v21, v2;
	v59 =	vpop (erf);
	v21 =	vadd.f32 v0, v36;
	v0 =	vmul.f32 v6, v24  }
0x185: {  	v60 =	vmul.f32 v45, v24;
	v22 =	vadd.f32 v5, v28;
	v6 =	vadd.f32 v6, v26;
	v2 =	vpop (erf)  }
0x186: {  	v5 =	vmul.f32 v5, v24;
	v27 =	vadd.f32 v2, v27;
	v0 =	vadd.f32 v0, v30  }
0x187: {  	v63 =	vmul.f32 v17, v23;
	v61 =	vpop (erf);
	v28 =	vadd.f32 v59, v6;
	v6 =	vadd.f32 v60, v33  }
0x188: {  	v2 =	vmul.f32 v2, v24;
	v30 =	vadd.f32 v58, v57;
	v26 =	vadd.f32 v61, v22  }
0x189: {  	v62 =	vmul.f32 v59, v23;
	v22 =	vadd.f32 v17, v27;
	v27 =	vadd.f32 v3, v31  }
0x18a: {  	v31 =	vmul.f32 v61, v23;
	v17 =	vmul.f32 v58, v23;
	v2 =	vadd.f32 v2, v25  }
0x18b: {  	v24 =	vadd.f32 v62, v0;
	v0 =	vadd.f32 v5, v29;
	v3 =	vmul.f32 v3, v23  }
0x18c: {  	v43 =	vmovc v13;
	v42 =	vmov v7;
	v7 =	vld [tilespmem:$0x1FFA0];
	v23 =	vadd.f32 v17, v8;
	v25 =	vadd.f32 v63, v2  }
0x18d: {  	v41 =	vmovc v9;
	v9 =	vmovc v10;
	v10 =	vmov v12;
	v12 =	vld [tilespmem:$0x1FFB0];
	v17 =	vadd.f32 v3, v6;
	v29 =	vadd.f32 v31, v0  }
.LBB2_13:
.Ltmp12:
0x18e: {  	(pc) =	sbr.rel @p1 .LBB2_16-.Ltmp12, $3  }
0x18f: {  	_ =	sdelay $0x1  }
0x190: {  	v36 =	vshll.u32 v14, v43  }
0x191: {  	v14 =	vbroadcast v36, $0x0  }
0x192: {  	v31 =	vadd.s32 $0x80, v36;
	v32 =	vadd.s32 $0x100, v36;
	v33 =	vadd.s32 $0x180, v36  }
0x193: {  	v34 =	vadd.s32 $0x200, v36;
	v35 =	vadd.s32 $0x280, v36;
	v31 =	vbroadcast v31, $0x0  }
0x194: {  	v37 =	vadd.s32 $0x300, v36;
	v32 =	vbroadcast v32, $0x0;
	v33 =	vbroadcast v33, $0x0  }
0x195: {  	v38 =	vadd.s32 $0x380, v36;
	v34 =	vbroadcast v34, $0x0;
	v35 =	vbroadcast v35, $0x0  }
0x196: {  	s2 =	smov.u32 s26;
	s6 =	smov.u32 s1;
	s24 =	smov.u32 s0;
	v36 =	vbroadcast v37, $0x0;
	v37 =	vbroadcast v38, $0x0  }
.LBB2_15:
0x197: {  	v0 =	vld [tilespmem:s2+$0x0];
	_ =	sdelay $0x4  }
0x198: {  	v2 =	vshll.u32 v0, $0x3  }
0x199: {  	v2 =	vand.u32 $0xFFFFFC00, v2  }
0x19a: {  	v0 =	vand.u32 $0x7F, v0;
	v3 =	vadd.s32 v14, v2  }
0x19b: {  	v5 =	vadd.s32 v31, v2;
	v6 =	vadd.s32 v32, v2;
	v3 =	vor.u32 v0, v3  }
0x19c: {  	v8 =	vadd.s32 v33, v2;
	v38 =	vadd.s32 v34, v2;
	v5 =	vor.u32 v0, v5  }
0x19d: {  	v39 =	vadd.s32 v35, v2;
	v40 =	vadd.s32 v36, v2;
	v6 =	vor.u32 v0, v6  }
0x19e: {  	v2 =	vadd.s32 v37, v2;
	v8 =	vor.u32 v0, v8;
	v38 =	vor.u32 v0, v38  }
0x19f: {  	v39 =	vor.u32 v0, v39;
	v40 =	vor.u32 v0, v40;
	v0 =	vor.u32 v0, v2  }
0x1a0: {  	v3 =	vld.idx.msk [tilespmem:v3+s31+$0x0], $0xffff  }
0x1a1: {  	v5 =	vld.idx.msk [tilespmem:v5+s31+$0x0], $0xffff  }
0x1a2: {  	v2 =	vld.idx.msk [tilespmem:v6+s31+$0x0], $0xffff  }
0x1a3: {  	v6 =	vld.idx.msk [tilespmem:v8+s31+$0x0], $0xffff  }
0x1a4: {  	v0 =	vld.idx.msk [tilespmem:v0+s31+$0x0], $0xffff  }
0x1a5: {  	v8 =	vld.idx.msk [tilespmem:v38+s31+$0x0], $0xffff;
	v3 =	vmul.f32 $1.442695020e+00, v3  }
0x1a6: {  	v61 =	vld.idx.msk [tilespmem:v39+s31+$0x0], $0xffff;
	v5 =	vmul.f32 $1.442695020e+00, v5  }
0x1a7: {  	v62 =	vld.idx.msk [tilespmem:v40+s31+$0x0], $0xffff;
	(erf) = vpow2.f32 v3  }
0x1a8: {  	v2 =	vmul.f32 $1.442695020e+00, v2;
	(erf) = vpow2.f32 v5  }
0x1a9: {  	v0 =	vmul.f32 $1.442695020e+00, v0;
	v3 =	vmul.f32 $1.442695020e+00, v6  }
0x1aa: {  	(erf) = vpow2.f32 v2;
	v2 =	vmul.f32 $1.442695020e+00, v8  }
0x1ab: {  	(erf) = vpow2.f32 v3;
	v3 =	vmul.f32 $1.442695020e+00, v61  }
0x1ac: {  	v5 =	vld [tilespmem:s6+$0x0];
	(erf) = vpow2.f32 v2;
	v2 =	vmul.f32 $1.442695020e+00, v62  }
0x1ad: {  	(erf) = vpow2.f32 v3  }
0x1ae: {  	(erf) = vpow2.f32 v2  }
0x1af: {  	(erf) = vpow2.f32 v0  }
0x1b0: {  	v0 =	vpop (erf)  }
0x1b1: {  	v2 =	vpop (erf);
	v3 =	vmul.f32 v0, v5  }
0x1b2: {  	v8 =	vmul.f32 v2, v5  }
0x1b3: {  	v22 =	vadd.f32 v0, v22;
	v6 =	vpop (erf)  }
0x1b4: {  	v15 =	vadd.f32 v2, v15;
	v63 =	vpop (erf);
	v25 =	vadd.f32 v3, v25;
	v0 =	vmul.f32 v6, v5  }
0x1b5: {  	s24 =	sadd.s32 $0x10, s24;
	v28 =	vadd.f32 v6, v28;
	v18 =	vadd.f32 v8, v18;
	v2 =	vmul.f32 v63, v5;
	v3 =	vpop (erf)  }
0x1b6: {  	p2 =	slt.s32 s24, s30;
	v19 =	vadd.f32 v63, v19;
	v24 =	vadd.f32 v0, v24;
	v8 =	vpop (erf);
	v0 =	vmul.f32 v3, v5  }
.Ltmp13:
0x1b7: {  	v21 =	vadd.f32 v2, v21;
	v16 =	vadd.f32 v3, v16;
	v6 =	vpop (erf);
	v2 =	vmul.f32 v8, v5;
	(pc) =	sbr.rel @p2 .LBB2_15-.Ltmp13, $4  }
0x1b8: {  	v26 =	vadd.f32 v8, v26;
	v20 =	vadd.f32 v0, v20;
	v3 =	vpop (erf)  }
0x1b9: {  	v0 =	vmul.f32 v6, v5;
	v29 =	vadd.f32 v2, v29;
	v2 =	vmul.f32 v3, v5  }
0x1ba: {  	v30 =	vadd.f32 v6, v30;
	v27 =	vadd.f32 v3, v27  }
0x1bb: {  	s2 =	sadd.s32 $0x10, s2;
	s6 =	sadd.s32 $0x10, s6;
	v23 =	vadd.f32 v0, v23;
	v17 =	vadd.f32 v2, v17  }
.Ltmp14:
0x1bc: {  	_ = 	snop;
	(pc) =	sbr.rel .LBB2_16-.Ltmp14, $1  }
0x1bd: {  	_ =	sdelay $0x3  }
.LBB2_18:
0x1be: {  	_ =	sfence.sel $0x180000  }
0x1bf: {  	[bflag:$0x0] =	sbarrier.arrive $0xFFFF  }
0x1c0: {  	_ =	strace $0x90000047  }
0x1c1: {  	s0 =	stileid.u32;
	[bflag:$0x2] =	sbarrier.arrive $0xFFFF  }
0x1c2: {  	p0 =	sne.s32 s0, $0x0;
	s0 =	rddreg [dreg:$0x2]  }
0x1c3: {  	s0 =	sadd.s32 @!p0 $0x100000, s0  }
0x1c4: {  	[sflag:s0] =	ssyncadd.tile.s32 @!p0 $0x1;
	_ =	shalt  }
.Lfunc_end2:
_tile_overlayer_lowered:
.L_overlay_start_2:
0x1c5: {  	(tag) =	ssettag $0x2  }
0x1c6: {  	s0 =	rddreg [dreg:$0x0];
	s2 =	stileid.u32  }
0x1c7: {  	s1 =	rddreg [dreg:$0x1];
	p0 =	sne.s32 s2, $0x0  }
0x1c8: {  	s3 =	rddreg [dreg:$0x2];
	[bflag:$0x3] =	sbarrier.arrive $0xFFFF;
	s2 =	simm.s32 @!p0 $0x1C03  }
0x1c9: {  	[timem:s3], [sflag:s2] =	dma.local @!p0 [hbm:s0], s1  }
0x1ca: {  	s0 =	simm.s32 @!p0 $0x3  }
0x1cb: {  	_ =	swait.ge @!p0 [sflag:s0], s1  }
0x1cc: {  	s1 =	ssub.s32 @!p0 $0x0, s1;
	[sflag:s0] =	ssyncset.done @!p0 $0x0  }
0x1cd: {  	[sflag:s0] =	ssyncadd.s32 @!p0 s1  }
0x1ce: {  	[bflag:$0x3] =	sbarrier.arrive $0xFFFF  }
0x1cf: {  	_ =	shalt  }

</sc_bundles>
